<compile_context>
chip_gen: v7x
topology: tpu7x:2x2x1
jax: 0.10.2.dev20260603
libtpu: 0.0.44.dev20260713+nightly
codegen_flags: <defaults>
</compile_context>

<pallas_src>
import jax
import jax.numpy as jnp
from jax import lax
from jax.experimental import pallas as pl
from jax.experimental.pallas import tpu as pltpu
from jax.experimental.pallas import tpu_sc as plsc

N = 50000
E = 1600000
L = 4

NC = 2
NS = 16
NW = NC * NS

EPW = 50176
E_PAD = NW * EPW
CH = 3136
NCHUNK = EPW // CH
GRP = CH // 16

N_PAD = 50048

F_GRID = 17
F_COLS = N_PAD // F_GRID

DISC = [0.9 ** 4, 0.9 ** 3, 0.9 ** 2, 0.9]


def _chunk_compute(idx_sv, idx_dv, val_v, acc_s, acc_d):
    def grp_body(g, _):
        iv_s = idx_sv[pl.ds(g * 16, 16)]
        iv_d = idx_dv[pl.ds(g * 16, 16)]
        vv = val_v[pl.ds(g * 16, 16)]
        plsc.addupdate_scatter(acc_s, [iv_s], vv)
        plsc.addupdate_scatter(acc_d, [iv_d], vv)
        return ()

    lax.fori_loop(0, GRP, grp_body, ())


def _sc_segsum(src_hbm, dst_hbm, predt_hbm, zrow_hbm, out_hbm,
               isa, ida, va, isb, idb, vb, sem_a, sem_b, acc_s, acc_d):
    c = lax.axis_index("c")
    s = lax.axis_index("s")
    w = s * NC + c
    base_w = w * EPW

    for l in range(L):
        pltpu.sync_copy(zrow_hbm, acc_s)
        pltpu.sync_copy(zrow_hbm, acc_d)

        def dstep(k, _):
            b0 = base_w + (2 * k) * CH
            b1 = b0 + CH
            ga = [pltpu.async_copy(src_hbm.at[pl.ds(b0, CH)], isa, sem_a),
                  pltpu.async_copy(dst_hbm.at[pl.ds(b0, CH)], ida, sem_a),
                  pltpu.async_copy(predt_hbm.at[l, pl.ds(b0, CH)], va, sem_a)]
            gb = [pltpu.async_copy(src_hbm.at[pl.ds(b1, CH)], isb, sem_b),
                  pltpu.async_copy(dst_hbm.at[pl.ds(b1, CH)], idb, sem_b),
                  pltpu.async_copy(predt_hbm.at[l, pl.ds(b1, CH)], vb, sem_b)]
            for g in ga:
                g.wait()
            _chunk_compute(isa, ida, va, acc_s, acc_d)
            for g in gb:
                g.wait()
            _chunk_compute(isb, idb, vb, acc_s, acc_d)
            return ()

        lax.fori_loop(0, NCHUNK // 2, dstep, ())

        pltpu.sync_copy(acc_s, out_hbm.at[l, 0, w])
        pltpu.sync_copy(acc_d, out_hbm.at[l, 1, w])


@jax.jit
def _sc_call(src_flat, dst_flat, predt, zrow):
    mesh = plsc.VectorSubcoreMesh(
        core_axis_name="c", subcore_axis_name="s",
        num_cores=NC, num_subcores=NS)
    return pl.kernel(
        _sc_segsum,
        out_type=jax.ShapeDtypeStruct((L, 2, NW, N_PAD), jnp.float32),
        mesh=mesh,
        scratch_types=[
            pltpu.VMEM((CH,), jnp.int32),
            pltpu.VMEM((CH,), jnp.int32),
            pltpu.VMEM((CH,), jnp.float32),
            pltpu.VMEM((CH,), jnp.int32),
            pltpu.VMEM((CH,), jnp.int32),
            pltpu.VMEM((CH,), jnp.float32),
            pltpu.SemaphoreType.DMA,
            pltpu.SemaphoreType.DMA,
            pltpu.VMEM((N_PAD,), jnp.float32),
            pltpu.VMEM((N_PAD,), jnp.float32),
        ],
        compiler_params=pltpu.CompilerParams(
            use_tc_tiling_on_sc=False, needs_layout_passes=False),
    )(src_flat, dst_flat, predt, zrow)


def _finisher_body(s0, d0, s1, d1, s2, d2, s3, d3, dem, out_ref):
    i = pl.program_id(0)
    part = jnp.float32(0.0)
    for l, (sr, dr) in enumerate(((s0, d0), (s1, d1), (s2, d2), (s3, d3))):
        err = (jnp.sum(sr[...], axis=0, keepdims=True)
               - jnp.sum(dr[...], axis=0, keepdims=True)
               - dem[...])
        part = part + jnp.float32(DISC[l]) * jnp.sum(err * err)

    @pl.when(i == 0)
    def _init():
        out_ref[0, 0] = 0.0

    out_ref[0, 0] += part * (1.0 / N)


@jax.jit
def _finish(parts, dem):
    blk = pl.BlockSpec((NW, F_COLS), lambda i: (0, i))
    dblk = pl.BlockSpec((1, F_COLS), lambda i: (0, i))
    ins = [parts[l][d] for l in range(L) for d in range(2)]
    return pl.pallas_call(
        _finisher_body,
        grid=(F_GRID,),
        in_specs=[blk] * 8 + [dblk],
        out_specs=pl.BlockSpec((1, 1), lambda i: (0, 0),
                               memory_space=pltpu.SMEM),
        out_shape=jax.ShapeDtypeStruct((1, 1), jnp.float32),
    )(*ins, dem)


def kernel(pred_edge_attr, edge_attr, edge_y, node_x, edge_index):
    pad_e = E_PAD - E
    src_flat = jnp.concatenate([edge_index[0], jnp.zeros((pad_e,), jnp.int32)])
    dst_flat = jnp.concatenate([edge_index[1], jnp.zeros((pad_e,), jnp.int32)])
    predt = jnp.concatenate(
        [pred_edge_attr.T, jnp.zeros((L, pad_e), jnp.float32)], axis=1)
    zrow = jnp.zeros((N_PAD,), jnp.float32)

    out = _sc_call(src_flat, dst_flat, predt, zrow)

    demands = node_x[:, 0]
    dem = jnp.concatenate(
        [demands, jnp.zeros((N_PAD - N,), jnp.float32)]).reshape(1, N_PAD)
    parts = [[out[l, 0], out[l, 1]] for l in range(L)]
    loss = _finish(parts, dem)
    return loss[0, 0]

# --- scband reference (transcript-rebuilt; emitter-appended) ---
"""Pipeline reference for scband-harmonic-flow-smoothing-41618233098871 (READ-ONLY COPY).

The authoritative reference and input builder live on the scoring server;
editing this copy changes nothing except your own understanding.
"""

import jax, jax.numpy as jnp
import numpy as np

N = 50000
E = 1600000
L = 4
D_EDGE = 4
D_X = 128


def setup_inputs(seed: int = 0) -> dict:
    key = jax.random.key(seed)
    k1, k2, k3, k4, k5 = jax.random.split(key, 5)
    pred_edge_attr = jax.random.normal(k1, (E, L), dtype=jnp.float32)
    edge_attr = jax.random.uniform(k2, (E, D_EDGE), dtype=jnp.float32)
    edge_y = jax.random.normal(k3, (E,), dtype=jnp.float32)
    node_x = jax.random.normal(k4, (N, D_X), dtype=jnp.float32)
    edge_index = jax.random.randint(k5, (2, E), 0, N, dtype=jnp.int32)
    return {
        "pred_edge_attr": pred_edge_attr,
        "edge_attr": edge_attr,
        "edge_y": edge_y,
        "node_x": node_x,
        "edge_index": edge_index,
    }


def reference(pred_edge_attr, edge_attr, edge_y, node_x, edge_index):
    # HarmonicFlowSmoothing.forward with derived_flowrates=False,
    # operator='boundary', no virtual node/edge columns (virtual mask is all-True),
    # demand_idx=0, loss_coefficient_index=0, p=2, weight=1.
    p = 2
    weight = 1.0
    loss_coefficient = jnp.abs(edge_attr[:, 0])  # computed as in torch; unused on this path
    src = edge_index[0]
    dst = edge_index[1]
    num_nodes = node_x.shape[0]
    # flow-conservation check (side-effect-only in torch; kept for faithful math)
    check = (jax.ops.segment_sum(edge_y, src, num_segments=num_nodes)
             - jax.ops.segment_sum(edge_y, dst, num_segments=num_nodes))
    error = (jax.ops.segment_sum(pred_edge_attr, src, num_segments=num_nodes)
             - jax.ops.segment_sum(pred_edge_attr, dst, num_segments=num_nodes))
    demands = node_x[:, 0]
    check = check - demands
    error = error - jnp.repeat(demands[:, None], error.shape[-1], axis=1)
    # error has >1 column -> discounted multi-layer branch
    layers = error.shape[1]
    discounting = 0.9
    exponents = jnp.arange(1, layers + 1, dtype=jnp.float32)[::-1]
    base = (jnp.ones(layers, dtype=jnp.float32) * discounting) ** exponents
    error = error ** p
    error = error * base
    error = error.sum(axis=1)
    loss = jnp.mean(error) * weight
    return loss

if __name__ == "__main__":
    import jax
    _d = setup_inputs()
    print(jax.jit(kernel)(*tuple(_d.values())))

</pallas_src>

<mosaic_0001>
#map = affine_map<(d0, d1) -> (0)>
#map1 = affine_map<(d0, d1) -> (0, 0)>
#map2 = affine_map<(d0, d1) -> (0, 0, 0, 0)>
module attributes {stable_mosaic.version = 14 : i64} {
  func.func @_sc_segsum(%arg0: i32, %arg1: i32, %arg2: memref<1605632xi32, #tpu.memory_space<hbm>>, %arg3: memref<1605632xi32, #tpu.memory_space<hbm>>, %arg4: memref<4x1605632xf32, #tpu.memory_space<hbm>>, %arg5: memref<50048xf32, #tpu.memory_space<hbm>>, %arg6: memref<4x2x32x50048xf32, #tpu.memory_space<hbm>>, %arg7: memref<3136xi32, #tpu.memory_space<vmem>>, %arg8: memref<3136xi32, #tpu.memory_space<vmem>>, %arg9: memref<3136xf32, #tpu.memory_space<vmem>>, %arg10: memref<3136xi32, #tpu.memory_space<vmem>>, %arg11: memref<3136xi32, #tpu.memory_space<vmem>>, %arg12: memref<3136xf32, #tpu.memory_space<vmem>>, %arg13: memref<!tpu.dma_semaphore, #tpu.memory_space<semaphore_mem>>, %arg14: memref<!tpu.dma_semaphore, #tpu.memory_space<semaphore_mem>>, %arg15: memref<50048xf32, #tpu.memory_space<vmem>>, %arg16: memref<50048xf32, #tpu.memory_space<vmem>>) attributes {dimension_semantics = [#tpu.dimension_semantics<core_parallel>, #tpu.dimension_semantics<subcore_parallel>], iteration_bounds = array<i64: 2, 16>, scalar_prefetch = 0 : i64, scratch_operands = 10 : i64, tpu.core_type = #tpu.core_type<sc_vector_subcore>, window_params = [{transform_indices = #map}, {transform_indices = #map}, {transform_indices = #map1}, {transform_indices = #map}, {transform_indices = #map2}]} {
    %mul3A = arith.constant 2 : i32
    %mul3A_0 = arith.muli %arg1, %mul3A : i32
    %add3A = arith.addi %mul3A_0, %arg0 : i32
    %mul3A_1 = arith.constant 50176 : i32
    %mul3A_2 = arith.muli %add3A, %mul3A_1 : i32
    "tpu.region"() ({
      %run_scoped3A_37 = tpu.sem_alloc : memref<!tpu.dma_semaphore, #tpu.memory_space<semaphore_mem>>
      tpu.enqueue_dma source(%arg5 : memref<50048xf32, #tpu.memory_space<hbm>>) target(%arg15 : memref<50048xf32, #tpu.memory_space<vmem>>) target_semaphore(%run_scoped3A_37 : memref<!tpu.dma_semaphore, #tpu.memory_space<semaphore_mem>>)
      tpu.wait_dma2 semaphore(%run_scoped3A_37 : memref<!tpu.dma_semaphore, #tpu.memory_space<semaphore_mem>>) src(%arg5 : memref<50048xf32, #tpu.memory_space<hbm>>) dst(%arg15 : memref<50048xf32, #tpu.memory_space<vmem>>)
      tpu.yield
    }) : () -> ()
    "tpu.region"() ({
      %run_scoped3A_37 = tpu.sem_alloc : memref<!tpu.dma_semaphore, #tpu.memory_space<semaphore_mem>>
      tpu.enqueue_dma source(%arg5 : memref<50048xf32, #tpu.memory_space<hbm>>) target(%arg16 : memref<50048xf32, #tpu.memory_space<vmem>>) target_semaphore(%run_scoped3A_37 : memref<!tpu.dma_semaphore, #tpu.memory_space<semaphore_mem>>)
      tpu.wait_dma2 semaphore(%run_scoped3A_37 : memref<!tpu.dma_semaphore, #tpu.memory_space<semaphore_mem>>) src(%arg5 : memref<50048xf32, #tpu.memory_space<hbm>>) dst(%arg16 : memref<50048xf32, #tpu.memory_space<vmem>>)
      tpu.yield
    }) : () -> ()
    %scan3A = arith.constant 0 : i32
    %scan3A_3 = arith.constant 8 : i32
    %scan3A_4 = arith.addi %scan3A, %scan3A_3 : i32
    %scan3A_5 = arith.constant 1 : i32
    scf.for %scan3A_37 = %scan3A to %scan3A_4 step %scan3A_5  : i32 {
      %mul3A_38 = arith.constant 2 : i32
      %mul3A_39 = arith.muli %mul3A_38, %scan3A_37 : i32
      %mul3A_40 = arith.constant 3136 : i32
      %mul3A_41 = arith.muli %mul3A_39, %mul3A_40 : i32
      %add3A_42 = arith.addi %mul3A_2, %mul3A_41 : i32
      %add3A_43 = arith.constant 3136 : i32
      %add3A_44 = arith.addi %add3A_42, %add3A_43 : i32
      %dma_start3A = tpu.memref_slice %arg2[%add3A_42] : memref<1605632xi32, #tpu.memory_space<hbm>> -> memref<3136xi32, #tpu.memory_space<hbm>>
      %dma_start3A_45 = tpu.memref_slice %arg2[%add3A_42] : memref<1605632xi32, #tpu.memory_space<hbm>> -> memref<3136xi32, #tpu.memory_space<hbm>>
      tpu.enqueue_dma source(%dma_start3A_45 : memref<3136xi32, #tpu.memory_space<hbm>>) target(%arg7 : memref<3136xi32, #tpu.memory_space<vmem>>) target_semaphore(%arg13 : memref<!tpu.dma_semaphore, #tpu.memory_space<semaphore_mem>>)
      %dma_start3A_46 = tpu.memref_slice %arg3[%add3A_42] : memref<1605632xi32, #tpu.memory_space<hbm>> -> memref<3136xi32, #tpu.memory_space<hbm>>
      %dma_start3A_47 = tpu.memref_slice %arg3[%add3A_42] : memref<1605632xi32, #tpu.memory_space<hbm>> -> memref<3136xi32, #tpu.memory_space<hbm>>
      tpu.enqueue_dma source(%dma_start3A_47 : memref<3136xi32, #tpu.memory_space<hbm>>) target(%arg8 : memref<3136xi32, #tpu.memory_space<vmem>>) target_semaphore(%arg13 : memref<!tpu.dma_semaphore, #tpu.memory_space<semaphore_mem>>)
      %dma_start3A_48 = arith.constant 0 : i32
      %dma_start3A_49 = tpu.memref_slice %arg4[%dma_start3A_48, %add3A_42] : memref<4x1605632xf32, #tpu.memory_space<hbm>> -> memref<1x3136xf32, #tpu.memory_space<hbm>>
      %dma_start3A_50 = tpu.memref_squeeze %dma_start3A_49 : memref<1x3136xf32, #tpu.memory_space<hbm>> -> memref<3136xf32, #tpu.memory_space<hbm>>
      %dma_start3A_51 = tpu.memref_slice %arg4[%dma_start3A_48, %add3A_42] : memref<4x1605632xf32, #tpu.memory_space<hbm>> -> memref<1x3136xf32, #tpu.memory_space<hbm>>
      %dma_start3A_52 = tpu.memref_squeeze %dma_start3A_51 : memref<1x3136xf32, #tpu.memory_space<hbm>> -> memref<3136xf32, #tpu.memory_space<hbm>>
      tpu.enqueue_dma source(%dma_start3A_52 : memref<3136xf32, #tpu.memory_space<hbm>>) target(%arg9 : memref<3136xf32, #tpu.memory_space<vmem>>) target_semaphore(%arg13 : memref<!tpu.dma_semaphore, #tpu.memory_space<semaphore_mem>>)
      %dma_start3A_53 = tpu.memref_slice %arg2[%add3A_44] : memref<1605632xi32, #tpu.memory_space<hbm>> -> memref<3136xi32, #tpu.memory_space<hbm>>
      %dma_start3A_54 = tpu.memref_slice %arg2[%add3A_44] : memref<1605632xi32, #tpu.memory_space<hbm>> -> memref<3136xi32, #tpu.memory_space<hbm>>
      tpu.enqueue_dma source(%dma_start3A_54 : memref<3136xi32, #tpu.memory_space<hbm>>) target(%arg10 : memref<3136xi32, #tpu.memory_space<vmem>>) target_semaphore(%arg14 : memref<!tpu.dma_semaphore, #tpu.memory_space<semaphore_mem>>)
      %dma_start3A_55 = tpu.memref_slice %arg3[%add3A_44] : memref<1605632xi32, #tpu.memory_space<hbm>> -> memref<3136xi32, #tpu.memory_space<hbm>>
      %dma_start3A_56 = tpu.memref_slice %arg3[%add3A_44] : memref<1605632xi32, #tpu.memory_space<hbm>> -> memref<3136xi32, #tpu.memory_space<hbm>>
      tpu.enqueue_dma source(%dma_start3A_56 : memref<3136xi32, #tpu.memory_space<hbm>>) target(%arg11 : memref<3136xi32, #tpu.memory_space<vmem>>) target_semaphore(%arg14 : memref<!tpu.dma_semaphore, #tpu.memory_space<semaphore_mem>>)
      %dma_start3A_57 = arith.constant 0 : i32
      %dma_start3A_58 = tpu.memref_slice %arg4[%dma_start3A_57, %add3A_44] : memref<4x1605632xf32, #tpu.memory_space<hbm>> -> memref<1x3136xf32, #tpu.memory_space<hbm>>
      %dma_start3A_59 = tpu.memref_squeeze %dma_start3A_58 : memref<1x3136xf32, #tpu.memory_space<hbm>> -> memref<3136xf32, #tpu.memory_space<hbm>>
      %dma_start3A_60 = tpu.memref_slice %arg4[%dma_start3A_57, %add3A_44] : memref<4x1605632xf32, #tpu.memory_space<hbm>> -> memref<1x3136xf32, #tpu.memory_space<hbm>>
      %dma_start3A_61 = tpu.memref_squeeze %dma_start3A_60 : memref<1x3136xf32, #tpu.memory_space<hbm>> -> memref<3136xf32, #tpu.memory_space<hbm>>
      tpu.enqueue_dma source(%dma_start3A_61 : memref<3136xf32, #tpu.memory_space<hbm>>) target(%arg12 : memref<3136xf32, #tpu.memory_space<vmem>>) target_semaphore(%arg14 : memref<!tpu.dma_semaphore, #tpu.memory_space<semaphore_mem>>)
      %dma_wait3A = tpu.memref_slice %arg2[%add3A_42] : memref<1605632xi32, #tpu.memory_space<hbm>> -> memref<3136xi32, #tpu.memory_space<hbm>>
      %dma_wait3A_62 = tpu.memref_slice %arg2[%add3A_42] : memref<1605632xi32, #tpu.memory_space<hbm>> -> memref<3136xi32, #tpu.memory_space<hbm>>
      tpu.wait_dma2 semaphore(%arg13 : memref<!tpu.dma_semaphore, #tpu.memory_space<semaphore_mem>>) src(%dma_wait3A_62 : memref<3136xi32, #tpu.memory_space<hbm>>) dst(%arg7 : memref<3136xi32, #tpu.memory_space<vmem>>)
      %dma_wait3A_63 = tpu.memref_slice %arg3[%add3A_42] : memref<1605632xi32, #tpu.memory_space<hbm>> -> memref<3136xi32, #tpu.memory_space<hbm>>
      %dma_wait3A_64 = tpu.memref_slice %arg3[%add3A_42] : memref<1605632xi32, #tpu.memory_space<hbm>> -> memref<3136xi32, #tpu.memory_space<hbm>>
      tpu.wait_dma2 semaphore(%arg13 : memref<!tpu.dma_semaphore, #tpu.memory_space<semaphore_mem>>) src(%dma_wait3A_64 : memref<3136xi32, #tpu.memory_space<hbm>>) dst(%arg8 : memref<3136xi32, #tpu.memory_space<vmem>>)
      %dma_wait3A_65 = arith.constant 0 : i32
      %dma_wait3A_66 = tpu.memref_slice %arg4[%dma_wait3A_65, %add3A_42] : memref<4x1605632xf32, #tpu.memory_space<hbm>> -> memref<1x3136xf32, #tpu.memory_space<hbm>>
      %dma_wait3A_67 = tpu.memref_squeeze %dma_wait3A_66 : memref<1x3136xf32, #tpu.memory_space<hbm>> -> memref<3136xf32, #tpu.memory_space<hbm>>
      %dma_wait3A_68 = tpu.memref_slice %arg4[%dma_wait3A_65, %add3A_42] : memref<4x1605632xf32, #tpu.memory_space<hbm>> -> memref<1x3136xf32, #tpu.memory_space<hbm>>
      %dma_wait3A_69 = tpu.memref_squeeze %dma_wait3A_68 : memref<1x3136xf32, #tpu.memory_space<hbm>> -> memref<3136xf32, #tpu.memory_space<hbm>>
      tpu.wait_dma2 semaphore(%arg13 : memref<!tpu.dma_semaphore, #tpu.memory_space<semaphore_mem>>) src(%dma_wait3A_69 : memref<3136xf32, #tpu.memory_space<hbm>>) dst(%arg9 : memref<3136xf32, #tpu.memory_space<vmem>>)
      %scan3A_70 = arith.constant 0 : i32
      %scan3A_71 = arith.constant 196 : i32
      %scan3A_72 = arith.addi %scan3A_70, %scan3A_71 : i32
      %scan3A_73 = arith.constant 1 : i32
      scf.for %scan3A_89 = %scan3A_70 to %scan3A_72 step %scan3A_73  : i32 {
        %mul3A_90 = arith.constant 16 : i32
        %mul3A_91 = arith.muli %scan3A_89, %mul3A_90 : i32
        %get3A = arith.index_cast %mul3A_91 : i32 to index
        %get3A_92 = tpu.vector_load %arg7[%get3A] {strides = array<i32>} : memref<3136xi32, #tpu.memory_space<vmem>>, vector<16xi32>,
        %mul3A_93 = arith.constant 16 : i32
        %mul3A_94 = arith.muli %scan3A_89, %mul3A_93 : i32
        %get3A_95 = arith.index_cast %mul3A_94 : i32 to index
        %get3A_96 = tpu.vector_load %arg8[%get3A_95] {strides = array<i32>} : memref<3136xi32, #tpu.memory_space<vmem>>, vector<16xi32>,
        %mul3A_97 = arith.constant 16 : i32
        %mul3A_98 = arith.muli %scan3A_89, %mul3A_97 : i32
        %get3A_99 = arith.index_cast %mul3A_98 : i32 to index
        %get3A_100 = tpu.vector_load %arg9[%get3A_99] {strides = array<i32>} : memref<3136xf32, #tpu.memory_space<vmem>>, vector<16xf32>,
        tpu.vector_store_idx %arg15[%get3A_92], %get3A_100 {add = true} : memref<50048xf32, #tpu.memory_space<vmem>>[vector<16xi32>], vector<16xf32>,
        tpu.vector_store_idx %arg16[%get3A_96], %get3A_100 {add = true} : memref<50048xf32, #tpu.memory_space<vmem>>[vector<16xi32>], vector<16xf32>,
      }
      %scan3A_74 = arith.constant 196 : i32
      %dma_wait3A_75 = tpu.memref_slice %arg2[%add3A_44] : memref<1605632xi32, #tpu.memory_space<hbm>> -> memref<3136xi32, #tpu.memory_space<hbm>>
      %dma_wait3A_76 = tpu.memref_slice %arg2[%add3A_44] : memref<1605632xi32, #tpu.memory_space<hbm>> -> memref<3136xi32, #tpu.memory_space<hbm>>
      tpu.wait_dma2 semaphore(%arg14 : memref<!tpu.dma_semaphore, #tpu.memory_space<semaphore_mem>>) src(%dma_wait3A_76 : memref<3136xi32, #tpu.memory_space<hbm>>) dst(%arg10 : memref<3136xi32, #tpu.memory_space<vmem>>)
      %dma_wait3A_77 = tpu.memref_slice %arg3[%add3A_44] : memref<1605632xi32, #tpu.memory_space<hbm>> -> memref<3136xi32, #tpu.memory_space<hbm>>
      %dma_wait3A_78 = tpu.memref_slice %arg3[%add3A_44] : memref<1605632xi32, #tpu.memory_space<hbm>> -> memref<3136xi32, #tpu.memory_space<hbm>>
      tpu.wait_dma2 semaphore(%arg14 : memref<!tpu.dma_semaphore, #tpu.memory_space<semaphore_mem>>) src(%dma_wait3A_78 : memref<3136xi32, #tpu.memory_space<hbm>>) dst(%arg11 : memref<3136xi32, #tpu.memory_space<vmem>>)
      %dma_wait3A_79 = arith.constant 0 : i32
      %dma_wait3A_80 = tpu.memref_slice %arg4[%dma_wait3A_79, %add3A_44] : memref<4x1605632xf32, #tpu.memory_space<hbm>> -> memref<1x3136xf32, #tpu.memory_space<hbm>>
      %dma_wait3A_81 = tpu.memref_squeeze %dma_wait3A_80 : memref<1x3136xf32, #tpu.memory_space<hbm>> -> memref<3136xf32, #tpu.memory_space<hbm>>
      %dma_wait3A_82 = tpu.memref_slice %arg4[%dma_wait3A_79, %add3A_44] : memref<4x1605632xf32, #tpu.memory_space<hbm>> -> memref<1x3136xf32, #tpu.memory_space<hbm>>
      %dma_wait3A_83 = tpu.memref_squeeze %dma_wait3A_82 : memref<1x3136xf32, #tpu.memory_space<hbm>> -> memref<3136xf32, #tpu.memory_space<hbm>>
      tpu.wait_dma2 semaphore(%arg14 : memref<!tpu.dma_semaphore, #tpu.memory_space<semaphore_mem>>) src(%dma_wait3A_83 : memref<3136xf32, #tpu.memory_space<hbm>>) dst(%arg12 : memref<3136xf32, #tpu.memory_space<vmem>>)
      %scan3A_84 = arith.constant 0 : i32
      %scan3A_85 = arith.constant 196 : i32
      %scan3A_86 = arith.addi %scan3A_84, %scan3A_85 : i32
      %scan3A_87 = arith.constant 1 : i32
      scf.for %scan3A_89 = %scan3A_84 to %scan3A_86 step %scan3A_87  : i32 {
        %mul3A_90 = arith.constant 16 : i32
        %mul3A_91 = arith.muli %scan3A_89, %mul3A_90 : i32
        %get3A = arith.index_cast %mul3A_91 : i32 to index
        %get3A_92 = tpu.vector_load %arg10[%get3A] {strides = array<i32>} : memref<3136xi32, #tpu.memory_space<vmem>>, vector<16xi32>,
        %mul3A_93 = arith.constant 16 : i32
        %mul3A_94 = arith.muli %scan3A_89, %mul3A_93 : i32
        %get3A_95 = arith.index_cast %mul3A_94 : i32 to index
        %get3A_96 = tpu.vector_load %arg11[%get3A_95] {strides = array<i32>} : memref<3136xi32, #tpu.memory_space<vmem>>, vector<16xi32>,
        %mul3A_97 = arith.constant 16 : i32
        %mul3A_98 = arith.muli %scan3A_89, %mul3A_97 : i32
        %get3A_99 = arith.index_cast %mul3A_98 : i32 to index
        %get3A_100 = tpu.vector_load %arg12[%get3A_99] {strides = array<i32>} : memref<3136xf32, #tpu.memory_space<vmem>>, vector<16xf32>,
        tpu.vector_store_idx %arg15[%get3A_92], %get3A_100 {add = true} : memref<50048xf32, #tpu.memory_space<vmem>>[vector<16xi32>], vector<16xf32>,
        tpu.vector_store_idx %arg16[%get3A_96], %get3A_100 {add = true} : memref<50048xf32, #tpu.memory_space<vmem>>[vector<16xi32>], vector<16xf32>,
      }
      %scan3A_88 = arith.constant 196 : i32
    }
    %scan3A_6 = arith.constant 8 : i32
    %run_scoped3A = arith.constant 0 : i32
    %run_scoped3A_7 = arith.constant 0 : i32
    "tpu.region"() ({
      %run_scoped3A_37 = tpu.sem_alloc : memref<!tpu.dma_semaphore, #tpu.memory_space<semaphore_mem>>
      %dma_start3A = arith.constant 0 : i32
      %dma_start3A_38 = tpu.memref_slice %arg6[%run_scoped3A, %run_scoped3A_7, %add3A, %dma_start3A] : memref<4x2x32x50048xf32, #tpu.memory_space<hbm>> -> memref<1x1x1x50048xf32, #tpu.memory_space<hbm>>
      %dma_start3A_39 = tpu.memref_squeeze %dma_start3A_38 : memref<1x1x1x50048xf32, #tpu.memory_space<hbm>> -> memref<50048xf32, #tpu.memory_space<hbm>>
      %dma_start3A_40 = arith.constant 0 : i32
      %dma_start3A_41 = tpu.memref_slice %arg6[%run_scoped3A, %run_scoped3A_7, %add3A, %dma_start3A_40] : memref<4x2x32x50048xf32, #tpu.memory_space<hbm>> -> memref<1x1x1x50048xf32, #tpu.memory_space<hbm>>
      %dma_start3A_42 = tpu.memref_squeeze %dma_start3A_41 : memref<1x1x1x50048xf32, #tpu.memory_space<hbm>> -> memref<50048xf32, #tpu.memory_space<hbm>>
      tpu.enqueue_dma source(%arg15 : memref<50048xf32, #tpu.memory_space<vmem>>) target(%dma_start3A_42 : memref<50048xf32, #tpu.memory_space<hbm>>) target_semaphore(%run_scoped3A_37 : memref<!tpu.dma_semaphore, #tpu.memory_space<semaphore_mem>>)
      %dma_wait3A = arith.constant 0 : i32
      %dma_wait3A_43 = tpu.memref_slice %arg6[%run_scoped3A, %run_scoped3A_7, %add3A, %dma_wait3A] : memref<4x2x32x50048xf32, #tpu.memory_space<hbm>> -> memref<1x1x1x50048xf32, #tpu.memory_space<hbm>>
      %dma_wait3A_44 = tpu.memref_squeeze %dma_wait3A_43 : memref<1x1x1x50048xf32, #tpu.memory_space<hbm>> -> memref<50048xf32, #tpu.memory_space<hbm>>
      %dma_wait3A_45 = arith.constant 0 : i32
      %dma_wait3A_46 = tpu.memref_slice %arg6[%run_scoped3A, %run_scoped3A_7, %add3A, %dma_wait3A_45] : memref<4x2x32x50048xf32, #tpu.memory_space<hbm>> -> memref<1x1x1x50048xf32, #tpu.memory_space<hbm>>
      %dma_wait3A_47 = tpu.memref_squeeze %dma_wait3A_46 : memref<1x1x1x50048xf32, #tpu.memory_space<hbm>> -> memref<50048xf32, #tpu.memory_space<hbm>>
      tpu.wait_dma2 semaphore(%run_scoped3A_37 : memref<!tpu.dma_semaphore, #tpu.memory_space<semaphore_mem>>) src(%arg15 : memref<50048xf32, #tpu.memory_space<vmem>>) dst(%dma_wait3A_47 : memref<50048xf32, #tpu.memory_space<hbm>>)
      tpu.yield
    }) : () -> ()
    %run_scoped3A_8 = arith.constant 0 : i32
    %run_scoped3A_9 = arith.constant 1 : i32
    "tpu.region"() ({
      %run_scoped3A_37 = tpu.sem_alloc : memref<!tpu.dma_semaphore, #tpu.memory_space<semaphore_mem>>
      %dma_start3A = arith.constant 0 : i32
      %dma_start3A_38 = tpu.memref_slice %arg6[%run_scoped3A_8, %run_scoped3A_9, %add3A, %dma_start3A] : memref<4x2x32x50048xf32, #tpu.memory_space<hbm>> -> memref<1x1x1x50048xf32, #tpu.memory_space<hbm>>
      %dma_start3A_39 = tpu.memref_squeeze %dma_start3A_38 : memref<1x1x1x50048xf32, #tpu.memory_space<hbm>> -> memref<50048xf32, #tpu.memory_space<hbm>>
      %dma_start3A_40 = arith.constant 0 : i32
      %dma_start3A_41 = tpu.memref_slice %arg6[%run_scoped3A_8, %run_scoped3A_9, %add3A, %dma_start3A_40] : memref<4x2x32x50048xf32, #tpu.memory_space<hbm>> -> memref<1x1x1x50048xf32, #tpu.memory_space<hbm>>
      %dma_start3A_42 = tpu.memref_squeeze %dma_start3A_41 : memref<1x1x1x50048xf32, #tpu.memory_space<hbm>> -> memref<50048xf32, #tpu.memory_space<hbm>>
      tpu.enqueue_dma source(%arg16 : memref<50048xf32, #tpu.memory_space<vmem>>) target(%dma_start3A_42 : memref<50048xf32, #tpu.memory_space<hbm>>) target_semaphore(%run_scoped3A_37 : memref<!tpu.dma_semaphore, #tpu.memory_space<semaphore_mem>>)
      %dma_wait3A = arith.constant 0 : i32
      %dma_wait3A_43 = tpu.memref_slice %arg6[%run_scoped3A_8, %run_scoped3A_9, %add3A, %dma_wait3A] : memref<4x2x32x50048xf32, #tpu.memory_space<hbm>> -> memref<1x1x1x50048xf32, #tpu.memory_space<hbm>>
      %dma_wait3A_44 = tpu.memref_squeeze %dma_wait3A_43 : memref<1x1x1x50048xf32, #tpu.memory_space<hbm>> -> memref<50048xf32, #tpu.memory_space<hbm>>
      %dma_wait3A_45 = arith.constant 0 : i32
      %dma_wait3A_46 = tpu.memref_slice %arg6[%run_scoped3A_8, %run_scoped3A_9, %add3A, %dma_wait3A_45] : memref<4x2x32x50048xf32, #tpu.memory_space<hbm>> -> memref<1x1x1x50048xf32, #tpu.memory_space<hbm>>
      %dma_wait3A_47 = tpu.memref_squeeze %dma_wait3A_46 : memref<1x1x1x50048xf32, #tpu.memory_space<hbm>> -> memref<50048xf32, #tpu.memory_space<hbm>>
      tpu.wait_dma2 semaphore(%run_scoped3A_37 : memref<!tpu.dma_semaphore, #tpu.memory_space<semaphore_mem>>) src(%arg16 : memref<50048xf32, #tpu.memory_space<vmem>>) dst(%dma_wait3A_47 : memref<50048xf32, #tpu.memory_space<hbm>>)
      tpu.yield
    }) : () -> ()
    "tpu.region"() ({
      %run_scoped3A_37 = tpu.sem_alloc : memref<!tpu.dma_semaphore, #tpu.memory_space<semaphore_mem>>
      tpu.enqueue_dma source(%arg5 : memref<50048xf32, #tpu.memory_space<hbm>>) target(%arg15 : memref<50048xf32, #tpu.memory_space<vmem>>) target_semaphore(%run_scoped3A_37 : memref<!tpu.dma_semaphore, #tpu.memory_space<semaphore_mem>>)
      tpu.wait_dma2 semaphore(%run_scoped3A_37 : memref<!tpu.dma_semaphore, #tpu.memory_space<semaphore_mem>>) src(%arg5 : memref<50048xf32, #tpu.memory_space<hbm>>) dst(%arg15 : memref<50048xf32, #tpu.memory_space<vmem>>)
      tpu.yield
    }) : () -> ()
    "tpu.region"() ({
      %run_scoped3A_37 = tpu.sem_alloc : memref<!tpu.dma_semaphore, #tpu.memory_space<semaphore_mem>>
      tpu.enqueue_dma source(%arg5 : memref<50048xf32, #tpu.memory_space<hbm>>) target(%arg16 : memref<50048xf32, #tpu.memory_space<vmem>>) target_semaphore(%run_scoped3A_37 : memref<!tpu.dma_semaphore, #tpu.memory_space<semaphore_mem>>)
      tpu.wait_dma2 semaphore(%run_scoped3A_37 : memref<!tpu.dma_semaphore, #tpu.memory_space<semaphore_mem>>) src(%arg5 : memref<50048xf32, #tpu.memory_space<hbm>>) dst(%arg16 : memref<50048xf32, #tpu.memory_space<vmem>>)
      tpu.yield
    }) : () -> ()
    %scan3A_10 = arith.constant 0 : i32
    %scan3A_11 = arith.constant 8 : i32
    %scan3A_12 = arith.addi %scan3A_10, %scan3A_11 : i32
    %scan3A_13 = arith.constant 1 : i32
    scf.for %scan3A_37 = %scan3A_10 to %scan3A_12 step %scan3A_13  : i32 {
      %mul3A_38 = arith.constant 2 : i32
      %mul3A_39 = arith.muli %mul3A_38, %scan3A_37 : i32
      %mul3A_40 = arith.constant 3136 : i32
      %mul3A_41 = arith.muli %mul3A_39, %mul3A_40 : i32
      %add3A_42 = arith.addi %mul3A_2, %mul3A_41 : i32
      %add3A_43 = arith.constant 3136 : i32
      %add3A_44 = arith.addi %add3A_42, %add3A_43 : i32
      %dma_start3A = tpu.memref_slice %arg2[%add3A_42] : memref<1605632xi32, #tpu.memory_space<hbm>> -> memref<3136xi32, #tpu.memory_space<hbm>>
      %dma_start3A_45 = tpu.memref_slice %arg2[%add3A_42] : memref<1605632xi32, #tpu.memory_space<hbm>> -> memref<3136xi32, #tpu.memory_space<hbm>>
      tpu.enqueue_dma source(%dma_start3A_45 : memref<3136xi32, #tpu.memory_space<hbm>>) target(%arg7 : memref<3136xi32, #tpu.memory_space<vmem>>) target_semaphore(%arg13 : memref<!tpu.dma_semaphore, #tpu.memory_space<semaphore_mem>>)
      %dma_start3A_46 = tpu.memref_slice %arg3[%add3A_42] : memref<1605632xi32, #tpu.memory_space<hbm>> -> memref<3136xi32, #tpu.memory_space<hbm>>
      %dma_start3A_47 = tpu.memref_slice %arg3[%add3A_42] : memref<1605632xi32, #tpu.memory_space<hbm>> -> memref<3136xi32, #tpu.memory_space<hbm>>
      tpu.enqueue_dma source(%dma_start3A_47 : memref<3136xi32, #tpu.memory_space<hbm>>) target(%arg8 : memref<3136xi32, #tpu.memory_space<vmem>>) target_semaphore(%arg13 : memref<!tpu.dma_semaphore, #tpu.memory_space<semaphore_mem>>)
      %dma_start3A_48 = arith.constant 1 : i32
      %dma_start3A_49 = tpu.memref_slice %arg4[%dma_start3A_48, %add3A_42] : memref<4x1605632xf32, #tpu.memory_space<hbm>> -> memref<1x3136xf32, #tpu.memory_space<hbm>>
      %dma_start3A_50 = tpu.memref_squeeze %dma_start3A_49 : memref<1x3136xf32, #tpu.memory_space<hbm>> -> memref<3136xf32, #tpu.memory_space<hbm>>
      %dma_start3A_51 = tpu.memref_slice %arg4[%dma_start3A_48, %add3A_42] : memref<4x1605632xf32, #tpu.memory_space<hbm>> -> memref<1x3136xf32, #tpu.memory_space<hbm>>
      %dma_start3A_52 = tpu.memref_squeeze %dma_start3A_51 : memref<1x3136xf32, #tpu.memory_space<hbm>> -> memref<3136xf32, #tpu.memory_space<hbm>>
      tpu.enqueue_dma source(%dma_start3A_52 : memref<3136xf32, #tpu.memory_space<hbm>>) target(%arg9 : memref<3136xf32, #tpu.memory_space<vmem>>) target_semaphore(%arg13 : memref<!tpu.dma_semaphore, #tpu.memory_space<semaphore_mem>>)
      %dma_start3A_53 = tpu.memref_slice %arg2[%add3A_44] : memref<1605632xi32, #tpu.memory_space<hbm>> -> memref<3136xi32, #tpu.memory_space<hbm>>
      %dma_start3A_54 = tpu.memref_slice %arg2[%add3A_44] : memref<1605632xi32, #tpu.memory_space<hbm>> -> memref<3136xi32, #tpu.memory_space<hbm>>
      tpu.enqueue_dma source(%dma_start3A_54 : memref<3136xi32, #tpu.memory_space<hbm>>) target(%arg10 : memref<3136xi32, #tpu.memory_space<vmem>>) target_semaphore(%arg14 : memref<!tpu.dma_semaphore, #tpu.memory_space<semaphore_mem>>)
      %dma_start3A_55 = tpu.memref_slice %arg3[%add3A_44] : memref<1605632xi32, #tpu.memory_space<hbm>> -> memref<3136xi32, #tpu.memory_space<hbm>>
      %dma_start3A_56 = tpu.memref_slice %arg3[%add3A_44] : memref<1605632xi32, #tpu.memory_space<hbm>> -> memref<3136xi32, #tpu.memory_space<hbm>>
      tpu.enqueue_dma source(%dma_start3A_56 : memref<3136xi32, #tpu.memory_space<hbm>>) target(%arg11 : memref<3136xi32, #tpu.memory_space<vmem>>) target_semaphore(%arg14 : memref<!tpu.dma_semaphore, #tpu.memory_space<semaphore_mem>>)
      %dma_start3A_57 = arith.constant 1 : i32
      %dma_start3A_58 = tpu.memref_slice %arg4[%dma_start3A_57, %add3A_44] : memref<4x1605632xf32, #tpu.memory_space<hbm>> -> memref<1x3136xf32, #tpu.memory_space<hbm>>
      %dma_start3A_59 = tpu.memref_squeeze %dma_start3A_58 : memref<1x3136xf32, #tpu.memory_space<hbm>> -> memref<3136xf32, #tpu.memory_space<hbm>>
      %dma_start3A_60 = tpu.memref_slice %arg4[%dma_start3A_57, %add3A_44] : memref<4x1605632xf32, #tpu.memory_space<hbm>> -> memref<1x3136xf32, #tpu.memory_space<hbm>>
      %dma_start3A_61 = tpu.memref_squeeze %dma_start3A_60 : memref<1x3136xf32, #tpu.memory_space<hbm>> -> memref<3136xf32, #tpu.memory_space<hbm>>
      tpu.enqueue_dma source(%dma_start3A_61 : memref<3136xf32, #tpu.memory_space<hbm>>) target(%arg12 : memref<3136xf32, #tpu.memory_space<vmem>>) target_semaphore(%arg14 : memref<!tpu.dma_semaphore, #tpu.memory_space<semaphore_mem>>)
      %dma_wait3A = tpu.memref_slice %arg2[%add3A_42] : memref<1605632xi32, #tpu.memory_space<hbm>> -> memref<3136xi32, #tpu.memory_space<hbm>>
      %dma_wait3A_62 = tpu.memref_slice %arg2[%add3A_42] : memref<1605632xi32, #tpu.memory_space<hbm>> -> memref<3136xi32, #tpu.memory_space<hbm>>
      tpu.wait_dma2 semaphore(%arg13 : memref<!tpu.dma_semaphore, #tpu.memory_space<semaphore_mem>>) src(%dma_wait3A_62 : memref<3136xi32, #tpu.memory_space<hbm>>) dst(%arg7 : memref<3136xi32, #tpu.memory_space<vmem>>)
      %dma_wait3A_63 = tpu.memref_slice %arg3[%add3A_42] : memref<1605632xi32, #tpu.memory_space<hbm>> -> memref<3136xi32, #tpu.memory_space<hbm>>
      %dma_wait3A_64 = tpu.memref_slice %arg3[%add3A_42] : memref<1605632xi32, #tpu.memory_space<hbm>> -> memref<3136xi32, #tpu.memory_space<hbm>>
      tpu.wait_dma2 semaphore(%arg13 : memref<!tpu.dma_semaphore, #tpu.memory_space<semaphore_mem>>) src(%dma_wait3A_64 : memref<3136xi32, #tpu.memory_space<hbm>>) dst(%arg8 : memref<3136xi32, #tpu.memory_space<vmem>>)
      %dma_wait3A_65 = arith.constant 1 : i32
      %dma_wait3A_66 = tpu.memref_slice %arg4[%dma_wait3A_65, %add3A_42] : memref<4x1605632xf32, #tpu.memory_space<hbm>> -> memref<1x3136xf32, #tpu.memory_space<hbm>>
      %dma_wait3A_67 = tpu.memref_squeeze %dma_wait3A_66 : memref<1x3136xf32, #tpu.memory_space<hbm>> -> memref<3136xf32, #tpu.memory_space<hbm>>
      %dma_wait3A_68 = tpu.memref_slice %arg4[%dma_wait3A_65, %add3A_42] : memref<4x1605632xf32, #tpu.memory_space<hbm>> -> memref<1x3136xf32, #tpu.memory_space<hbm>>
      %dma_wait3A_69 = tpu.memref_squeeze %dma_wait3A_68 : memref<1x3136xf32, #tpu.memory_space<hbm>> -> memref<3136xf32, #tpu.memory_space<hbm>>
      tpu.wait_dma2 semaphore(%arg13 : memref<!tpu.dma_semaphore, #tpu.memory_space<semaphore_mem>>) src(%dma_wait3A_69 : memref<3136xf32, #tpu.memory_space<hbm>>) dst(%arg9 : memref<3136xf32, #tpu.memory_space<vmem>>)
      %scan3A_70 = arith.constant 0 : i32
      %scan3A_71 = arith.constant 196 : i32
      %scan3A_72 = arith.addi %scan3A_70, %scan3A_71 : i32
      %scan3A_73 = arith.constant 1 : i32
      scf.for %scan3A_89 = %scan3A_70 to %scan3A_72 step %scan3A_73  : i32 {
        %mul3A_90 = arith.constant 16 : i32
        %mul3A_91 = arith.muli %scan3A_89, %mul3A_90 : i32
        %get3A = arith.index_cast %mul3A_91 : i32 to index
        %get3A_92 = tpu.vector_load %arg7[%get3A] {strides = array<i32>} : memref<3136xi32, #tpu.memory_space<vmem>>, vector<16xi32>,
        %mul3A_93 = arith.constant 16 : i32
        %mul3A_94 = arith.muli %scan3A_89, %mul3A_93 : i32
        %get3A_95 = arith.index_cast %mul3A_94 : i32 to index
        %get3A_96 = tpu.vector_load %arg8[%get3A_95] {strides = array<i32>} : memref<3136xi32, #tpu.memory_space<vmem>>, vector<16xi32>,
        %mul3A_97 = arith.constant 16 : i32
        %mul3A_98 = arith.muli %scan3A_89, %mul3A_97 : i32
        %get3A_99 = arith.index_cast %mul3A_98 : i32 to index
        %get3A_100 = tpu.vector_load %arg9[%get3A_99] {strides = array<i32>} : memref<3136xf32, #tpu.memory_space<vmem>>, vector<16xf32>,
        tpu.vector_store_idx %arg15[%get3A_92], %get3A_100 {add = true} : memref<50048xf32, #tpu.memory_space<vmem>>[vector<16xi32>], vector<16xf32>,
        tpu.vector_store_idx %arg16[%get3A_96], %get3A_100 {add = true} : memref<50048xf32, #tpu.memory_space<vmem>>[vector<16xi32>], vector<16xf32>,
      }
      %scan3A_74 = arith.constant 196 : i32
      %dma_wait3A_75 = tpu.memref_slice %arg2[%add3A_44] : memref<1605632xi32, #tpu.memory_space<hbm>> -> memref<3136xi32, #tpu.memory_space<hbm>>
      %dma_wait3A_76 = tpu.memref_slice %arg2[%add3A_44] : memref<1605632xi32, #tpu.memory_space<hbm>> -> memref<3136xi32, #tpu.memory_space<hbm>>
      tpu.wait_dma2 semaphore(%arg14 : memref<!tpu.dma_semaphore, #tpu.memory_space<semaphore_mem>>) src(%dma_wait3A_76 : memref<3136xi32, #tpu.memory_space<hbm>>) dst(%arg10 : memref<3136xi32, #tpu.memory_space<vmem>>)
      %dma_wait3A_77 = tpu.memref_slice %arg3[%add3A_44] : memref<1605632xi32, #tpu.memory_space<hbm>> -> memref<3136xi32, #tpu.memory_space<hbm>>
      %dma_wait3A_78 = tpu.memref_slice %arg3[%add3A_44] : memref<1605632xi32, #tpu.memory_space<hbm>> -> memref<3136xi32, #tpu.memory_space<hbm>>
      tpu.wait_dma2 semaphore(%arg14 : memref<!tpu.dma_semaphore, #tpu.memory_space<semaphore_mem>>) src(%dma_wait3A_78 : memref<3136xi32, #tpu.memory_space<hbm>>) dst(%arg11 : memref<3136xi32, #tpu.memory_space<vmem>>)
      %dma_wait3A_79 = arith.constant 1 : i32
      %dma_wait3A_80 = tpu.memref_slice %arg4[%dma_wait3A_79, %add3A_44] : memref<4x1605632xf32, #tpu.memory_space<hbm>> -> memref<1x3136xf32, #tpu.memory_space<hbm>>
      %dma_wait3A_81 = tpu.memref_squeeze %dma_wait3A_80 : memref<1x3136xf32, #tpu.memory_space<hbm>> -> memref<3136xf32, #tpu.memory_space<hbm>>
      %dma_wait3A_82 = tpu.memref_slice %arg4[%dma_wait3A_79, %add3A_44] : memref<4x1605632xf32, #tpu.memory_space<hbm>> -> memref<1x3136xf32, #tpu.memory_space<hbm>>
      %dma_wait3A_83 = tpu.memref_squeeze %dma_wait3A_82 : memref<1x3136xf32, #tpu.memory_space<hbm>> -> memref<3136xf32, #tpu.memory_space<hbm>>
      tpu.wait_dma2 semaphore(%arg14 : memref<!tpu.dma_semaphore, #tpu.memory_space<semaphore_mem>>) src(%dma_wait3A_83 : memref<3136xf32, #tpu.memory_space<hbm>>) dst(%arg12 : memref<3136xf32, #tpu.memory_space<vmem>>)
      %scan3A_84 = arith.constant 0 : i32
      %scan3A_85 = arith.constant 196 : i32
      %scan3A_86 = arith.addi %scan3A_84, %scan3A_85 : i32
      %scan3A_87 = arith.constant 1 : i32
      scf.for %scan3A_89 = %scan3A_84 to %scan3A_86 step %scan3A_87  : i32 {
        %mul3A_90 = arith.constant 16 : i32
        %mul3A_91 = arith.muli %scan3A_89, %mul3A_90 : i32
        %get3A = arith.index_cast %mul3A_91 : i32 to index
        %get3A_92 = tpu.vector_load %arg10[%get3A] {strides = array<i32>} : memref<3136xi32, #tpu.memory_space<vmem>>, vector<16xi32>,
        %mul3A_93 = arith.constant 16 : i32
        %mul3A_94 = arith.muli %scan3A_89, %mul3A_93 : i32
        %get3A_95 = arith.index_cast %mul3A_94 : i32 to index
        %get3A_96 = tpu.vector_load %arg11[%get3A_95] {strides = array<i32>} : memref<3136xi32, #tpu.memory_space<vmem>>, vector<16xi32>,
        %mul3A_97 = arith.constant 16 : i32
        %mul3A_98 = arith.muli %scan3A_89, %mul3A_97 : i32
        %get3A_99 = arith.index_cast %mul3A_98 : i32 to index
        %get3A_100 = tpu.vector_load %arg12[%get3A_99] {strides = array<i32>} : memref<3136xf32, #tpu.memory_space<vmem>>, vector<16xf32>,
        tpu.vector_store_idx %arg15[%get3A_92], %get3A_100 {add = true} : memref<50048xf32, #tpu.memory_space<vmem>>[vector<16xi32>], vector<16xf32>,
        tpu.vector_store_idx %arg16[%get3A_96], %get3A_100 {add = true} : memref<50048xf32, #tpu.memory_space<vmem>>[vector<16xi32>], vector<16xf32>,
      }
      %scan3A_88 = arith.constant 196 : i32
    }
    %scan3A_14 = arith.constant 8 : i32
    %run_scoped3A_15 = arith.constant 1 : i32
    %run_scoped3A_16 = arith.constant 0 : i32
    "tpu.region"() ({
      %run_scoped3A_37 = tpu.sem_alloc : memref<!tpu.dma_semaphore, #tpu.memory_space<semaphore_mem>>
      %dma_start3A = arith.constant 0 : i32
      %dma_start3A_38 = tpu.memref_slice %arg6[%run_scoped3A_15, %run_scoped3A_16, %add3A, %dma_start3A] : memref<4x2x32x50048xf32, #tpu.memory_space<hbm>> -> memref<1x1x1x50048xf32, #tpu.memory_space<hbm>>
      %dma_start3A_39 = tpu.memref_squeeze %dma_start3A_38 : memref<1x1x1x50048xf32, #tpu.memory_space<hbm>> -> memref<50048xf32, #tpu.memory_space<hbm>>
      %dma_start3A_40 = arith.constant 0 : i32
      %dma_start3A_41 = tpu.memref_slice %arg6[%run_scoped3A_15, %run_scoped3A_16, %add3A, %dma_start3A_40] : memref<4x2x32x50048xf32, #tpu.memory_space<hbm>> -> memref<1x1x1x50048xf32, #tpu.memory_space<hbm>>
      %dma_start3A_42 = tpu.memref_squeeze %dma_start3A_41 : memref<1x1x1x50048xf32, #tpu.memory_space<hbm>> -> memref<50048xf32, #tpu.memory_space<hbm>>
      tpu.enqueue_dma source(%arg15 : memref<50048xf32, #tpu.memory_space<vmem>>) target(%dma_start3A_42 : memref<50048xf32, #tpu.memory_space<hbm>>) target_semaphore(%run_scoped3A_37 : memref<!tpu.dma_semaphore, #tpu.memory_space<semaphore_mem>>)
      %dma_wait3A = arith.constant 0 : i32
      %dma_wait3A_43 = tpu.memref_slice %arg6[%run_scoped3A_15, %run_scoped3A_16, %add3A, %dma_wait3A] : memref<4x2x32x50048xf32, #tpu.memory_space<hbm>> -> memref<1x1x1x50048xf32, #tpu.memory_space<hbm>>
      %dma_wait3A_44 = tpu.memref_squeeze %dma_wait3A_43 : memref<1x1x1x50048xf32, #tpu.memory_space<hbm>> -> memref<50048xf32, #tpu.memory_space<hbm>>
      %dma_wait3A_45 = arith.constant 0 : i32
      %dma_wait3A_46 = tpu.memref_slice %arg6[%run_scoped3A_15, %run_scoped3A_16, %add3A, %dma_wait3A_45] : memref<4x2x32x50048xf32, #tpu.memory_space<hbm>> -> memref<1x1x1x50048xf32, #tpu.memory_space<hbm>>
      %dma_wait3A_47 = tpu.memref_squeeze %dma_wait3A_46 : memref<1x1x1x50048xf32, #tpu.memory_space<hbm>> -> memref<50048xf32, #tpu.memory_space<hbm>>
      tpu.wait_dma2 semaphore(%run_scoped3A_37 : memref<!tpu.dma_semaphore, #tpu.memory_space<semaphore_mem>>) src(%arg15 : memref<50048xf32, #tpu.memory_space<vmem>>) dst(%dma_wait3A_47 : memref<50048xf32, #tpu.memory_space<hbm>>)
      tpu.yield
    }) : () -> ()
    %run_scoped3A_17 = arith.constant 1 : i32
    %run_scoped3A_18 = arith.constant 1 : i32
    "tpu.region"() ({
      %run_scoped3A_37 = tpu.sem_alloc : memref<!tpu.dma_semaphore, #tpu.memory_space<semaphore_mem>>
      %dma_start3A = arith.constant 0 : i32
      %dma_start3A_38 = tpu.memref_slice %arg6[%run_scoped3A_17, %run_scoped3A_18, %add3A, %dma_start3A] : memref<4x2x32x50048xf32, #tpu.memory_space<hbm>> -> memref<1x1x1x50048xf32, #tpu.memory_space<hbm>>
      %dma_start3A_39 = tpu.memref_squeeze %dma_start3A_38 : memref<1x1x1x50048xf32, #tpu.memory_space<hbm>> -> memref<50048xf32, #tpu.memory_space<hbm>>
      %dma_start3A_40 = arith.constant 0 : i32
      %dma_start3A_41 = tpu.memref_slice %arg6[%run_scoped3A_17, %run_scoped3A_18, %add3A, %dma_start3A_40] : memref<4x2x32x50048xf32, #tpu.memory_space<hbm>> -> memref<1x1x1x50048xf32, #tpu.memory_space<hbm>>
      %dma_start3A_42 = tpu.memref_squeeze %dma_start3A_41 : memref<1x1x1x50048xf32, #tpu.memory_space<hbm>> -> memref<50048xf32, #tpu.memory_space<hbm>>
      tpu.enqueue_dma source(%arg16 : memref<50048xf32, #tpu.memory_space<vmem>>) target(%dma_start3A_42 : memref<50048xf32, #tpu.memory_space<hbm>>) target_semaphore(%run_scoped3A_37 : memref<!tpu.dma_semaphore, #tpu.memory_space<semaphore_mem>>)
      %dma_wait3A = arith.constant 0 : i32
      %dma_wait3A_43 = tpu.memref_slice %arg6[%run_scoped3A_17, %run_scoped3A_18, %add3A, %dma_wait3A] : memref<4x2x32x50048xf32, #tpu.memory_space<hbm>> -> memref<1x1x1x50048xf32, #tpu.memory_space<hbm>>
      %dma_wait3A_44 = tpu.memref_squeeze %dma_wait3A_43 : memref<1x1x1x50048xf32, #tpu.memory_space<hbm>> -> memref<50048xf32, #tpu.memory_space<hbm>>
      %dma_wait3A_45 = arith.constant 0 : i32
      %dma_wait3A_46 = tpu.memref_slice %arg6[%run_scoped3A_17, %run_scoped3A_18, %add3A, %dma_wait3A_45] : memref<4x2x32x50048xf32, #tpu.memory_space<hbm>> -> memref<1x1x1x50048xf32, #tpu.memory_space<hbm>>
      %dma_wait3A_47 = tpu.memref_squeeze %dma_wait3A_46 : memref<1x1x1x50048xf32, #tpu.memory_space<hbm>> -> memref<50048xf32, #tpu.memory_space<hbm>>
      tpu.wait_dma2 semaphore(%run_scoped3A_37 : memref<!tpu.dma_semaphore, #tpu.memory_space<semaphore_mem>>) src(%arg16 : memref<50048xf32, #tpu.memory_space<vmem>>) dst(%dma_wait3A_47 : memref<50048xf32, #tpu.memory_space<hbm>>)
      tpu.yield
    }) : () -> ()
    "tpu.region"() ({
      %run_scoped3A_37 = tpu.sem_alloc : memref<!tpu.dma_semaphore, #tpu.memory_space<semaphore_mem>>
      tpu.enqueue_dma source(%arg5 : memref<50048xf32, #tpu.memory_space<hbm>>) target(%arg15 : memref<50048xf32, #tpu.memory_space<vmem>>) target_semaphore(%run_scoped3A_37 : memref<!tpu.dma_semaphore, #tpu.memory_space<semaphore_mem>>)
      tpu.wait_dma2 semaphore(%run_scoped3A_37 : memref<!tpu.dma_semaphore, #tpu.memory_space<semaphore_mem>>) src(%arg5 : memref<50048xf32, #tpu.memory_space<hbm>>) dst(%arg15 : memref<50048xf32, #tpu.memory_space<vmem>>)
      tpu.yield
    }) : () -> ()
    "tpu.region"() ({
      %run_scoped3A_37 = tpu.sem_alloc : memref<!tpu.dma_semaphore, #tpu.memory_space<semaphore_mem>>
      tpu.enqueue_dma source(%arg5 : memref<50048xf32, #tpu.memory_space<hbm>>) target(%arg16 : memref<50048xf32, #tpu.memory_space<vmem>>) target_semaphore(%run_scoped3A_37 : memref<!tpu.dma_semaphore, #tpu.memory_space<semaphore_mem>>)
      tpu.wait_dma2 semaphore(%run_scoped3A_37 : memref<!tpu.dma_semaphore, #tpu.memory_space<semaphore_mem>>) src(%arg5 : memref<50048xf32, #tpu.memory_space<hbm>>) dst(%arg16 : memref<50048xf32, #tpu.memory_space<vmem>>)
      tpu.yield
    }) : () -> ()
    %scan3A_19 = arith.constant 0 : i32
    %scan3A_20 = arith.constant 8 : i32
    %scan3A_21 = arith.addi %scan3A_19, %scan3A_20 : i32
    %scan3A_22 = arith.constant 1 : i32
    scf.for %scan3A_37 = %scan3A_19 to %scan3A_21 step %scan3A_22  : i32 {
      %mul3A_38 = arith.constant 2 : i32
      %mul3A_39 = arith.muli %mul3A_38, %scan3A_37 : i32
      %mul3A_40 = arith.constant 3136 : i32
      %mul3A_41 = arith.muli %mul3A_39, %mul3A_40 : i32
      %add3A_42 = arith.addi %mul3A_2, %mul3A_41 : i32
      %add3A_43 = arith.constant 3136 : i32
      %add3A_44 = arith.addi %add3A_42, %add3A_43 : i32
      %dma_start3A = tpu.memref_slice %arg2[%add3A_42] : memref<1605632xi32, #tpu.memory_space<hbm>> -> memref<3136xi32, #tpu.memory_space<hbm>>
      %dma_start3A_45 = tpu.memref_slice %arg2[%add3A_42] : memref<1605632xi32, #tpu.memory_space<hbm>> -> memref<3136xi32, #tpu.memory_space<hbm>>
      tpu.enqueue_dma source(%dma_start3A_45 : memref<3136xi32, #tpu.memory_space<hbm>>) target(%arg7 : memref<3136xi32, #tpu.memory_space<vmem>>) target_semaphore(%arg13 : memref<!tpu.dma_semaphore, #tpu.memory_space<semaphore_mem>>)
      %dma_start3A_46 = tpu.memref_slice %arg3[%add3A_42] : memref<1605632xi32, #tpu.memory_space<hbm>> -> memref<3136xi32, #tpu.memory_space<hbm>>
      %dma_start3A_47 = tpu.memref_slice %arg3[%add3A_42] : memref<1605632xi32, #tpu.memory_space<hbm>> -> memref<3136xi32, #tpu.memory_space<hbm>>
      tpu.enqueue_dma source(%dma_start3A_47 : memref<3136xi32, #tpu.memory_space<hbm>>) target(%arg8 : memref<3136xi32, #tpu.memory_space<vmem>>) target_semaphore(%arg13 : memref<!tpu.dma_semaphore, #tpu.memory_space<semaphore_mem>>)
      %dma_start3A_48 = arith.constant 2 : i32
      %dma_start3A_49 = tpu.memref_slice %arg4[%dma_start3A_48, %add3A_42] : memref<4x1605632xf32, #tpu.memory_space<hbm>> -> memref<1x3136xf32, #tpu.memory_space<hbm>>
      %dma_start3A_50 = tpu.memref_squeeze %dma_start3A_49 : memref<1x3136xf32, #tpu.memory_space<hbm>> -> memref<3136xf32, #tpu.memory_space<hbm>>
      %dma_start3A_51 = tpu.memref_slice %arg4[%dma_start3A_48, %add3A_42] : memref<4x1605632xf32, #tpu.memory_space<hbm>> -> memref<1x3136xf32, #tpu.memory_space<hbm>>
      %dma_start3A_52 = tpu.memref_squeeze %dma_start3A_51 : memref<1x3136xf32, #tpu.memory_space<hbm>> -> memref<3136xf32, #tpu.memory_space<hbm>>
      tpu.enqueue_dma source(%dma_start3A_52 : memref<3136xf32, #tpu.memory_space<hbm>>) target(%arg9 : memref<3136xf32, #tpu.memory_space<vmem>>) target_semaphore(%arg13 : memref<!tpu.dma_semaphore, #tpu.memory_space<semaphore_mem>>)
      %dma_start3A_53 = tpu.memref_slice %arg2[%add3A_44] : memref<1605632xi32, #tpu.memory_space<hbm>> -> memref<3136xi32, #tpu.memory_space<hbm>>
      %dma_start3A_54 = tpu.memref_slice %arg2[%add3A_44] : memref<1605632xi32, #tpu.memory_space<hbm>> -> memref<3136xi32, #tpu.memory_space<hbm>>
      tpu.enqueue_dma source(%dma_start3A_54 : memref<3136xi32, #tpu.memory_space<hbm>>) target(%arg10 : memref<3136xi32, #tpu.memory_space<vmem>>) target_semaphore(%arg14 : memref<!tpu.dma_semaphore, #tpu.memory_space<semaphore_mem>>)
      %dma_start3A_55 = tpu.memref_slice %arg3[%add3A_44] : memref<1605632xi32, #tpu.memory_space<hbm>> -> memref<3136xi32, #tpu.memory_space<hbm>>
      %dma_start3A_56 = tpu.memref_slice %arg3[%add3A_44] : memref<1605632xi32, #tpu.memory_space<hbm>> -> memref<3136xi32, #tpu.memory_space<hbm>>
      tpu.enqueue_dma source(%dma_start3A_56 : memref<3136xi32, #tpu.memory_space<hbm>>) target(%arg11 : memref<3136xi32, #tpu.memory_space<vmem>>) target_semaphore(%arg14 : memref<!tpu.dma_semaphore, #tpu.memory_space<semaphore_mem>>)
      %dma_start3A_57 = arith.constant 2 : i32
      %dma_start3A_58 = tpu.memref_slice %arg4[%dma_start3A_57, %add3A_44] : memref<4x1605632xf32, #tpu.memory_space<hbm>> -> memref<1x3136xf32, #tpu.memory_space<hbm>>
      %dma_start3A_59 = tpu.memref_squeeze %dma_start3A_58 : memref<1x3136xf32, #tpu.memory_space<hbm>> -> memref<3136xf32, #tpu.memory_space<hbm>>
      %dma_start3A_60 = tpu.memref_slice %arg4[%dma_start3A_57, %add3A_44] : memref<4x1605632xf32, #tpu.memory_space<hbm>> -> memref<1x3136xf32, #tpu.memory_space<hbm>>
      %dma_start3A_61 = tpu.memref_squeeze %dma_start3A_60 : memref<1x3136xf32, #tpu.memory_space<hbm>> -> memref<3136xf32, #tpu.memory_space<hbm>>
      tpu.enqueue_dma source(%dma_start3A_61 : memref<3136xf32, #tpu.memory_space<hbm>>) target(%arg12 : memref<3136xf32, #tpu.memory_space<vmem>>) target_semaphore(%arg14 : memref<!tpu.dma_semaphore, #tpu.memory_space<semaphore_mem>>)
      %dma_wait3A = tpu.memref_slice %arg2[%add3A_42] : memref<1605632xi32, #tpu.memory_space<hbm>> -> memref<3136xi32, #tpu.memory_space<hbm>>
      %dma_wait3A_62 = tpu.memref_slice %arg2[%add3A_42] : memref<1605632xi32, #tpu.memory_space<hbm>> -> memref<3136xi32, #tpu.memory_space<hbm>>
      tpu.wait_dma2 semaphore(%arg13 : memref<!tpu.dma_semaphore, #tpu.memory_space<semaphore_mem>>) src(%dma_wait3A_62 : memref<3136xi32, #tpu.memory_space<hbm>>) dst(%arg7 : memref<3136xi32, #tpu.memory_space<vmem>>)
      %dma_wait3A_63 = tpu.memref_slice %arg3[%add3A_42] : memref<1605632xi32, #tpu.memory_space<hbm>> -> memref<3136xi32, #tpu.memory_space<hbm>>
      %dma_wait3A_64 = tpu.memref_slice %arg3[%add3A_42] : memref<1605632xi32, #tpu.memory_space<hbm>> -> memref<3136xi32, #tpu.memory_space<hbm>>
      tpu.wait_dma2 semaphore(%arg13 : memref<!tpu.dma_semaphore, #tpu.memory_space<semaphore_mem>>) src(%dma_wait3A_64 : memref<3136xi32, #tpu.memory_space<hbm>>) dst(%arg8 : memref<3136xi32, #tpu.memory_space<vmem>>)
      %dma_wait3A_65 = arith.constant 2 : i32
      %dma_wait3A_66 = tpu.memref_slice %arg4[%dma_wait3A_65, %add3A_42] : memref<4x1605632xf32, #tpu.memory_space<hbm>> -> memref<1x3136xf32, #tpu.memory_space<hbm>>
      %dma_wait3A_67 = tpu.memref_squeeze %dma_wait3A_66 : memref<1x3136xf32, #tpu.memory_space<hbm>> -> memref<3136xf32, #tpu.memory_space<hbm>>
      %dma_wait3A_68 = tpu.memref_slice %arg4[%dma_wait3A_65, %add3A_42] : memref<4x1605632xf32, #tpu.memory_space<hbm>> -> memref<1x3136xf32, #tpu.memory_space<hbm>>
      %dma_wait3A_69 = tpu.memref_squeeze %dma_wait3A_68 : memref<1x3136xf32, #tpu.memory_space<hbm>> -> memref<3136xf32, #tpu.memory_space<hbm>>
      tpu.wait_dma2 semaphore(%arg13 : memref<!tpu.dma_semaphore, #tpu.memory_space<semaphore_mem>>) src(%dma_wait3A_69 : memref<3136xf32, #tpu.memory_space<hbm>>) dst(%arg9 : memref<3136xf32, #tpu.memory_space<vmem>>)
      %scan3A_70 = arith.constant 0 : i32
      %scan3A_71 = arith.constant 196 : i32
      %scan3A_72 = arith.addi %scan3A_70, %scan3A_71 : i32
      %scan3A_73 = arith.constant 1 : i32
      scf.for %scan3A_89 = %scan3A_70 to %scan3A_72 step %scan3A_73  : i32 {
        %mul3A_90 = arith.constant 16 : i32
        %mul3A_91 = arith.muli %scan3A_89, %mul3A_90 : i32
        %get3A = arith.index_cast %mul3A_91 : i32 to index
        %get3A_92 = tpu.vector_load %arg7[%get3A] {strides = array<i32>} : memref<3136xi32, #tpu.memory_space<vmem>>, vector<16xi32>,
        %mul3A_93 = arith.constant 16 : i32
        %mul3A_94 = arith.muli %scan3A_89, %mul3A_93 : i32
        %get3A_95 = arith.index_cast %mul3A_94 : i32 to index
        %get3A_96 = tpu.vector_load %arg8[%get3A_95] {strides = array<i32>} : memref<3136xi32, #tpu.memory_space<vmem>>, vector<16xi32>,
        %mul3A_97 = arith.constant 16 : i32
        %mul3A_98 = arith.muli %scan3A_89, %mul3A_97 : i32
        %get3A_99 = arith.index_cast %mul3A_98 : i32 to index
        %get3A_100 = tpu.vector_load %arg9[%get3A_99] {strides = array<i32>} : memref<3136xf32, #tpu.memory_space<vmem>>, vector<16xf32>,
        tpu.vector_store_idx %arg15[%get3A_92], %get3A_100 {add = true} : memref<50048xf32, #tpu.memory_space<vmem>>[vector<16xi32>], vector<16xf32>,
        tpu.vector_store_idx %arg16[%get3A_96], %get3A_100 {add = true} : memref<50048xf32, #tpu.memory_space<vmem>>[vector<16xi32>], vector<16xf32>,
      }
      %scan3A_74 = arith.constant 196 : i32
      %dma_wait3A_75 = tpu.memref_slice %arg2[%add3A_44] : memref<1605632xi32, #tpu.memory_space<hbm>> -> memref<3136xi32, #tpu.memory_space<hbm>>
      %dma_wait3A_76 = tpu.memref_slice %arg2[%add3A_44] : memref<1605632xi32, #tpu.memory_space<hbm>> -> memref<3136xi32, #tpu.memory_space<hbm>>
      tpu.wait_dma2 semaphore(%arg14 : memref<!tpu.dma_semaphore, #tpu.memory_space<semaphore_mem>>) src(%dma_wait3A_76 : memref<3136xi32, #tpu.memory_space<hbm>>) dst(%arg10 : memref<3136xi32, #tpu.memory_space<vmem>>)
      %dma_wait3A_77 = tpu.memref_slice %arg3[%add3A_44] : memref<1605632xi32, #tpu.memory_space<hbm>> -> memref<3136xi32, #tpu.memory_space<hbm>>
      %dma_wait3A_78 = tpu.memref_slice %arg3[%add3A_44] : memref<1605632xi32, #tpu.memory_space<hbm>> -> memref<3136xi32, #tpu.memory_space<hbm>>
      tpu.wait_dma2 semaphore(%arg14 : memref<!tpu.dma_semaphore, #tpu.memory_space<semaphore_mem>>) src(%dma_wait3A_78 : memref<3136xi32, #tpu.memory_space<hbm>>) dst(%arg11 : memref<3136xi32, #tpu.memory_space<vmem>>)
      %dma_wait3A_79 = arith.constant 2 : i32
      %dma_wait3A_80 = tpu.memref_slice %arg4[%dma_wait3A_79, %add3A_44] : memref<4x1605632xf32, #tpu.memory_space<hbm>> -> memref<1x3136xf32, #tpu.memory_space<hbm>>
      %dma_wait3A_81 = tpu.memref_squeeze %dma_wait3A_80 : memref<1x3136xf32, #tpu.memory_space<hbm>> -> memref<3136xf32, #tpu.memory_space<hbm>>
      %dma_wait3A_82 = tpu.memref_slice %arg4[%dma_wait3A_79, %add3A_44] : memref<4x1605632xf32, #tpu.memory_space<hbm>> -> memref<1x3136xf32, #tpu.memory_space<hbm>>
      %dma_wait3A_83 = tpu.memref_squeeze %dma_wait3A_82 : memref<1x3136xf32, #tpu.memory_space<hbm>> -> memref<3136xf32, #tpu.memory_space<hbm>>
      tpu.wait_dma2 semaphore(%arg14 : memref<!tpu.dma_semaphore, #tpu.memory_space<semaphore_mem>>) src(%dma_wait3A_83 : memref<3136xf32, #tpu.memory_space<hbm>>) dst(%arg12 : memref<3136xf32, #tpu.memory_space<vmem>>)
      %scan3A_84 = arith.constant 0 : i32
      %scan3A_85 = arith.constant 196 : i32
      %scan3A_86 = arith.addi %scan3A_84, %scan3A_85 : i32
      %scan3A_87 = arith.constant 1 : i32
      scf.for %scan3A_89 = %scan3A_84 to %scan3A_86 step %scan3A_87  : i32 {
        %mul3A_90 = arith.constant 16 : i32
        %mul3A_91 = arith.muli %scan3A_89, %mul3A_90 : i32
        %get3A = arith.index_cast %mul3A_91 : i32 to index
        %get3A_92 = tpu.vector_load %arg10[%get3A] {strides = array<i32>} : memref<3136xi32, #tpu.memory_space<vmem>>, vector<16xi32>,
        %mul3A_93 = arith.constant 16 : i32
        %mul3A_94 = arith.muli %scan3A_89, %mul3A_93 : i32
        %get3A_95 = arith.index_cast %mul3A_94 : i32 to index
        %get3A_96 = tpu.vector_load %arg11[%get3A_95] {strides = array<i32>} : memref<3136xi32, #tpu.memory_space<vmem>>, vector<16xi32>,
        %mul3A_97 = arith.constant 16 : i32
        %mul3A_98 = arith.muli %scan3A_89, %mul3A_97 : i32
        %get3A_99 = arith.index_cast %mul3A_98 : i32 to index
        %get3A_100 = tpu.vector_load %arg12[%get3A_99] {strides = array<i32>} : memref<3136xf32, #tpu.memory_space<vmem>>, vector<16xf32>,
        tpu.vector_store_idx %arg15[%get3A_92], %get3A_100 {add = true} : memref<50048xf32, #tpu.memory_space<vmem>>[vector<16xi32>], vector<16xf32>,
        tpu.vector_store_idx %arg16[%get3A_96], %get3A_100 {add = true} : memref<50048xf32, #tpu.memory_space<vmem>>[vector<16xi32>], vector<16xf32>,
      }
      %scan3A_88 = arith.constant 196 : i32
    }
    %scan3A_23 = arith.constant 8 : i32
    %run_scoped3A_24 = arith.constant 2 : i32
    %run_scoped3A_25 = arith.constant 0 : i32
    "tpu.region"() ({
      %run_scoped3A_37 = tpu.sem_alloc : memref<!tpu.dma_semaphore, #tpu.memory_space<semaphore_mem>>
      %dma_start3A = arith.constant 0 : i32
      %dma_start3A_38 = tpu.memref_slice %arg6[%run_scoped3A_24, %run_scoped3A_25, %add3A, %dma_start3A] : memref<4x2x32x50048xf32, #tpu.memory_space<hbm>> -> memref<1x1x1x50048xf32, #tpu.memory_space<hbm>>
      %dma_start3A_39 = tpu.memref_squeeze %dma_start3A_38 : memref<1x1x1x50048xf32, #tpu.memory_space<hbm>> -> memref<50048xf32, #tpu.memory_space<hbm>>
      %dma_start3A_40 = arith.constant 0 : i32
      %dma_start3A_41 = tpu.memref_slice %arg6[%run_scoped3A_24, %run_scoped3A_25, %add3A, %dma_start3A_40] : memref<4x2x32x50048xf32, #tpu.memory_space<hbm>> -> memref<1x1x1x50048xf32, #tpu.memory_space<hbm>>
      %dma_start3A_42 = tpu.memref_squeeze %dma_start3A_41 : memref<1x1x1x50048xf32, #tpu.memory_space<hbm>> -> memref<50048xf32, #tpu.memory_space<hbm>>
      tpu.enqueue_dma source(%arg15 : memref<50048xf32, #tpu.memory_space<vmem>>) target(%dma_start3A_42 : memref<50048xf32, #tpu.memory_space<hbm>>) target_semaphore(%run_scoped3A_37 : memref<!tpu.dma_semaphore, #tpu.memory_space<semaphore_mem>>)
      %dma_wait3A = arith.constant 0 : i32
      %dma_wait3A_43 = tpu.memref_slice %arg6[%run_scoped3A_24, %run_scoped3A_25, %add3A, %dma_wait3A] : memref<4x2x32x50048xf32, #tpu.memory_space<hbm>> -> memref<1x1x1x50048xf32, #tpu.memory_space<hbm>>
      %dma_wait3A_44 = tpu.memref_squeeze %dma_wait3A_43 : memref<1x1x1x50048xf32, #tpu.memory_space<hbm>> -> memref<50048xf32, #tpu.memory_space<hbm>>
      %dma_wait3A_45 = arith.constant 0 : i32
      %dma_wait3A_46 = tpu.memref_slice %arg6[%run_scoped3A_24, %run_scoped3A_25, %add3A, %dma_wait3A_45] : memref<4x2x32x50048xf32, #tpu.memory_space<hbm>> -> memref<1x1x1x50048xf32, #tpu.memory_space<hbm>>
      %dma_wait3A_47 = tpu.memref_squeeze %dma_wait3A_46 : memref<1x1x1x50048xf32, #tpu.memory_space<hbm>> -> memref<50048xf32, #tpu.memory_space<hbm>>
      tpu.wait_dma2 semaphore(%run_scoped3A_37 : memref<!tpu.dma_semaphore, #tpu.memory_space<semaphore_mem>>) src(%arg15 : memref<50048xf32, #tpu.memory_space<vmem>>) dst(%dma_wait3A_47 : memref<50048xf32, #tpu.memory_space<hbm>>)
      tpu.yield
    }) : () -> ()
    %run_scoped3A_26 = arith.constant 2 : i32
    %run_scoped3A_27 = arith.constant 1 : i32
    "tpu.region"() ({
      %run_scoped3A_37 = tpu.sem_alloc : memref<!tpu.dma_semaphore, #tpu.memory_space<semaphore_mem>>
      %dma_start3A = arith.constant 0 : i32
      %dma_start3A_38 = tpu.memref_slice %arg6[%run_scoped3A_26, %run_scoped3A_27, %add3A, %dma_start3A] : memref<4x2x32x50048xf32, #tpu.memory_space<hbm>> -> memref<1x1x1x50048xf32, #tpu.memory_space<hbm>>
      %dma_start3A_39 = tpu.memref_squeeze %dma_start3A_38 : memref<1x1x1x50048xf32, #tpu.memory_space<hbm>> -> memref<50048xf32, #tpu.memory_space<hbm>>
      %dma_start3A_40 = arith.constant 0 : i32
      %dma_start3A_41 = tpu.memref_slice %arg6[%run_scoped3A_26, %run_scoped3A_27, %add3A, %dma_start3A_40] : memref<4x2x32x50048xf32, #tpu.memory_space<hbm>> -> memref<1x1x1x50048xf32, #tpu.memory_space<hbm>>
      %dma_start3A_42 = tpu.memref_squeeze %dma_start3A_41 : memref<1x1x1x50048xf32, #tpu.memory_space<hbm>> -> memref<50048xf32, #tpu.memory_space<hbm>>
      tpu.enqueue_dma source(%arg16 : memref<50048xf32, #tpu.memory_space<vmem>>) target(%dma_start3A_42 : memref<50048xf32, #tpu.memory_space<hbm>>) target_semaphore(%run_scoped3A_37 : memref<!tpu.dma_semaphore, #tpu.memory_space<semaphore_mem>>)
      %dma_wait3A = arith.constant 0 : i32
      %dma_wait3A_43 = tpu.memref_slice %arg6[%run_scoped3A_26, %run_scoped3A_27, %add3A, %dma_wait3A] : memref<4x2x32x50048xf32, #tpu.memory_space<hbm>> -> memref<1x1x1x50048xf32, #tpu.memory_space<hbm>>
      %dma_wait3A_44 = tpu.memref_squeeze %dma_wait3A_43 : memref<1x1x1x50048xf32, #tpu.memory_space<hbm>> -> memref<50048xf32, #tpu.memory_space<hbm>>
      %dma_wait3A_45 = arith.constant 0 : i32
      %dma_wait3A_46 = tpu.memref_slice %arg6[%run_scoped3A_26, %run_scoped3A_27, %add3A, %dma_wait3A_45] : memref<4x2x32x50048xf32, #tpu.memory_space<hbm>> -> memref<1x1x1x50048xf32, #tpu.memory_space<hbm>>
      %dma_wait3A_47 = tpu.memref_squeeze %dma_wait3A_46 : memref<1x1x1x50048xf32, #tpu.memory_space<hbm>> -> memref<50048xf32, #tpu.memory_space<hbm>>
      tpu.wait_dma2 semaphore(%run_scoped3A_37 : memref<!tpu.dma_semaphore, #tpu.memory_space<semaphore_mem>>) src(%arg16 : memref<50048xf32, #tpu.memory_space<vmem>>) dst(%dma_wait3A_47 : memref<50048xf32, #tpu.memory_space<hbm>>)
      tpu.yield
    }) : () -> ()
    "tpu.region"() ({
      %run_scoped3A_37 = tpu.sem_alloc : memref<!tpu.dma_semaphore, #tpu.memory_space<semaphore_mem>>
      tpu.enqueue_dma source(%arg5 : memref<50048xf32, #tpu.memory_space<hbm>>) target(%arg15 : memref<50048xf32, #tpu.memory_space<vmem>>) target_semaphore(%run_scoped3A_37 : memref<!tpu.dma_semaphore, #tpu.memory_space<semaphore_mem>>)
      tpu.wait_dma2 semaphore(%run_scoped3A_37 : memref<!tpu.dma_semaphore, #tpu.memory_space<semaphore_mem>>) src(%arg5 : memref<50048xf32, #tpu.memory_space<hbm>>) dst(%arg15 : memref<50048xf32, #tpu.memory_space<vmem>>)
      tpu.yield
    }) : () -> ()
    "tpu.region"() ({
      %run_scoped3A_37 = tpu.sem_alloc : memref<!tpu.dma_semaphore, #tpu.memory_space<semaphore_mem>>
      tpu.enqueue_dma source(%arg5 : memref<50048xf32, #tpu.memory_space<hbm>>) target(%arg16 : memref<50048xf32, #tpu.memory_space<vmem>>) target_semaphore(%run_scoped3A_37 : memref<!tpu.dma_semaphore, #tpu.memory_space<semaphore_mem>>)
      tpu.wait_dma2 semaphore(%run_scoped3A_37 : memref<!tpu.dma_semaphore, #tpu.memory_space<semaphore_mem>>) src(%arg5 : memref<50048xf32, #tpu.memory_space<hbm>>) dst(%arg16 : memref<50048xf32, #tpu.memory_space<vmem>>)
      tpu.yield
    }) : () -> ()
    %scan3A_28 = arith.constant 0 : i32
    %scan3A_29 = arith.constant 8 : i32
    %scan3A_30 = arith.addi %scan3A_28, %scan3A_29 : i32
    %scan3A_31 = arith.constant 1 : i32
    scf.for %scan3A_37 = %scan3A_28 to %scan3A_30 step %scan3A_31  : i32 {
      %mul3A_38 = arith.constant 2 : i32
      %mul3A_39 = arith.muli %mul3A_38, %scan3A_37 : i32
      %mul3A_40 = arith.constant 3136 : i32
      %mul3A_41 = arith.muli %mul3A_39, %mul3A_40 : i32
      %add3A_42 = arith.addi %mul3A_2, %mul3A_41 : i32
      %add3A_43 = arith.constant 3136 : i32
      %add3A_44 = arith.addi %add3A_42, %add3A_43 : i32
      %dma_start3A = tpu.memref_slice %arg2[%add3A_42] : memref<1605632xi32, #tpu.memory_space<hbm>> -> memref<3136xi32, #tpu.memory_space<hbm>>
      %dma_start3A_45 = tpu.memref_slice %arg2[%add3A_42] : memref<1605632xi32, #tpu.memory_space<hbm>> -> memref<3136xi32, #tpu.memory_space<hbm>>
      tpu.enqueue_dma source(%dma_start3A_45 : memref<3136xi32, #tpu.memory_space<hbm>>) target(%arg7 : memref<3136xi32, #tpu.memory_space<vmem>>) target_semaphore(%arg13 : memref<!tpu.dma_semaphore, #tpu.memory_space<semaphore_mem>>)
      %dma_start3A_46 = tpu.memref_slice %arg3[%add3A_42] : memref<1605632xi32, #tpu.memory_space<hbm>> -> memref<3136xi32, #tpu.memory_space<hbm>>
      %dma_start3A_47 = tpu.memref_slice %arg3[%add3A_42] : memref<1605632xi32, #tpu.memory_space<hbm>> -> memref<3136xi32, #tpu.memory_space<hbm>>
      tpu.enqueue_dma source(%dma_start3A_47 : memref<3136xi32, #tpu.memory_space<hbm>>) target(%arg8 : memref<3136xi32, #tpu.memory_space<vmem>>) target_semaphore(%arg13 : memref<!tpu.dma_semaphore, #tpu.memory_space<semaphore_mem>>)
      %dma_start3A_48 = arith.constant 3 : i32
      %dma_start3A_49 = tpu.memref_slice %arg4[%dma_start3A_48, %add3A_42] : memref<4x1605632xf32, #tpu.memory_space<hbm>> -> memref<1x3136xf32, #tpu.memory_space<hbm>>
      %dma_start3A_50 = tpu.memref_squeeze %dma_start3A_49 : memref<1x3136xf32, #tpu.memory_space<hbm>> -> memref<3136xf32, #tpu.memory_space<hbm>>
      %dma_start3A_51 = tpu.memref_slice %arg4[%dma_start3A_48, %add3A_42] : memref<4x1605632xf32, #tpu.memory_space<hbm>> -> memref<1x3136xf32, #tpu.memory_space<hbm>>
      %dma_start3A_52 = tpu.memref_squeeze %dma_start3A_51 : memref<1x3136xf32, #tpu.memory_space<hbm>> -> memref<3136xf32, #tpu.memory_space<hbm>>
      tpu.enqueue_dma source(%dma_start3A_52 : memref<3136xf32, #tpu.memory_space<hbm>>) target(%arg9 : memref<3136xf32, #tpu.memory_space<vmem>>) target_semaphore(%arg13 : memref<!tpu.dma_semaphore, #tpu.memory_space<semaphore_mem>>)
      %dma_start3A_53 = tpu.memref_slice %arg2[%add3A_44] : memref<1605632xi32, #tpu.memory_space<hbm>> -> memref<3136xi32, #tpu.memory_space<hbm>>
      %dma_start3A_54 = tpu.memref_slice %arg2[%add3A_44] : memref<1605632xi32, #tpu.memory_space<hbm>> -> memref<3136xi32, #tpu.memory_space<hbm>>
      tpu.enqueue_dma source(%dma_start3A_54 : memref<3136xi32, #tpu.memory_space<hbm>>) target(%arg10 : memref<3136xi32, #tpu.memory_space<vmem>>) target_semaphore(%arg14 : memref<!tpu.dma_semaphore, #tpu.memory_space<semaphore_mem>>)
      %dma_start3A_55 = tpu.memref_slice %arg3[%add3A_44] : memref<1605632xi32, #tpu.memory_space<hbm>> -> memref<3136xi32, #tpu.memory_space<hbm>>
      %dma_start3A_56 = tpu.memref_slice %arg3[%add3A_44] : memref<1605632xi32, #tpu.memory_space<hbm>> -> memref<3136xi32, #tpu.memory_space<hbm>>
      tpu.enqueue_dma source(%dma_start3A_56 : memref<3136xi32, #tpu.memory_space<hbm>>) target(%arg11 : memref<3136xi32, #tpu.memory_space<vmem>>) target_semaphore(%arg14 : memref<!tpu.dma_semaphore, #tpu.memory_space<semaphore_mem>>)
      %dma_start3A_57 = arith.constant 3 : i32
      %dma_start3A_58 = tpu.memref_slice %arg4[%dma_start3A_57, %add3A_44] : memref<4x1605632xf32, #tpu.memory_space<hbm>> -> memref<1x3136xf32, #tpu.memory_space<hbm>>
      %dma_start3A_59 = tpu.memref_squeeze %dma_start3A_58 : memref<1x3136xf32, #tpu.memory_space<hbm>> -> memref<3136xf32, #tpu.memory_space<hbm>>
      %dma_start3A_60 = tpu.memref_slice %arg4[%dma_start3A_57, %add3A_44] : memref<4x1605632xf32, #tpu.memory_space<hbm>> -> memref<1x3136xf32, #tpu.memory_space<hbm>>
      %dma_start3A_61 = tpu.memref_squeeze %dma_start3A_60 : memref<1x3136xf32, #tpu.memory_space<hbm>> -> memref<3136xf32, #tpu.memory_space<hbm>>
      tpu.enqueue_dma source(%dma_start3A_61 : memref<3136xf32, #tpu.memory_space<hbm>>) target(%arg12 : memref<3136xf32, #tpu.memory_space<vmem>>) target_semaphore(%arg14 : memref<!tpu.dma_semaphore, #tpu.memory_space<semaphore_mem>>)
      %dma_wait3A = tpu.memref_slice %arg2[%add3A_42] : memref<1605632xi32, #tpu.memory_space<hbm>> -> memref<3136xi32, #tpu.memory_space<hbm>>
      %dma_wait3A_62 = tpu.memref_slice %arg2[%add3A_42] : memref<1605632xi32, #tpu.memory_space<hbm>> -> memref<3136xi32, #tpu.memory_space<hbm>>
      tpu.wait_dma2 semaphore(%arg13 : memref<!tpu.dma_semaphore, #tpu.memory_space<semaphore_mem>>) src(%dma_wait3A_62 : memref<3136xi32, #tpu.memory_space<hbm>>) dst(%arg7 : memref<3136xi32, #tpu.memory_space<vmem>>)
      %dma_wait3A_63 = tpu.memref_slice %arg3[%add3A_42] : memref<1605632xi32, #tpu.memory_space<hbm>> -> memref<3136xi32, #tpu.memory_space<hbm>>
      %dma_wait3A_64 = tpu.memref_slice %arg3[%add3A_42] : memref<1605632xi32, #tpu.memory_space<hbm>> -> memref<3136xi32, #tpu.memory_space<hbm>>
      tpu.wait_dma2 semaphore(%arg13 : memref<!tpu.dma_semaphore, #tpu.memory_space<semaphore_mem>>) src(%dma_wait3A_64 : memref<3136xi32, #tpu.memory_space<hbm>>) dst(%arg8 : memref<3136xi32, #tpu.memory_space<vmem>>)
      %dma_wait3A_65 = arith.constant 3 : i32
      %dma_wait3A_66 = tpu.memref_slice %arg4[%dma_wait3A_65, %add3A_42] : memref<4x1605632xf32, #tpu.memory_space<hbm>> -> memref<1x3136xf32, #tpu.memory_space<hbm>>
      %dma_wait3A_67 = tpu.memref_squeeze %dma_wait3A_66 : memref<1x3136xf32, #tpu.memory_space<hbm>> -> memref<3136xf32, #tpu.memory_space<hbm>>
      %dma_wait3A_68 = tpu.memref_slice %arg4[%dma_wait3A_65, %add3A_42] : memref<4x1605632xf32, #tpu.memory_space<hbm>> -> memref<1x3136xf32, #tpu.memory_space<hbm>>
      %dma_wait3A_69 = tpu.memref_squeeze %dma_wait3A_68 : memref<1x3136xf32, #tpu.memory_space<hbm>> -> memref<3136xf32, #tpu.memory_space<hbm>>
      tpu.wait_dma2 semaphore(%arg13 : memref<!tpu.dma_semaphore, #tpu.memory_space<semaphore_mem>>) src(%dma_wait3A_69 : memref<3136xf32, #tpu.memory_space<hbm>>) dst(%arg9 : memref<3136xf32, #tpu.memory_space<vmem>>)
      %scan3A_70 = arith.constant 0 : i32
      %scan3A_71 = arith.constant 196 : i32
      %scan3A_72 = arith.addi %scan3A_70, %scan3A_71 : i32
      %scan3A_73 = arith.constant 1 : i32
      scf.for %scan3A_89 = %scan3A_70 to %scan3A_72 step %scan3A_73  : i32 {
        %mul3A_90 = arith.constant 16 : i32
        %mul3A_91 = arith.muli %scan3A_89, %mul3A_90 : i32
        %get3A = arith.index_cast %mul3A_91 : i32 to index
        %get3A_92 = tpu.vector_load %arg7[%get3A] {strides = array<i32>} : memref<3136xi32, #tpu.memory_space<vmem>>, vector<16xi32>,
        %mul3A_93 = arith.constant 16 : i32
        %mul3A_94 = arith.muli %scan3A_89, %mul3A_93 : i32
        %get3A_95 = arith.index_cast %mul3A_94 : i32 to index
        %get3A_96 = tpu.vector_load %arg8[%get3A_95] {strides = array<i32>} : memref<3136xi32, #tpu.memory_space<vmem>>, vector<16xi32>,
        %mul3A_97 = arith.constant 16 : i32
        %mul3A_98 = arith.muli %scan3A_89, %mul3A_97 : i32
        %get3A_99 = arith.index_cast %mul3A_98 : i32 to index
        %get3A_100 = tpu.vector_load %arg9[%get3A_99] {strides = array<i32>} : memref<3136xf32, #tpu.memory_space<vmem>>, vector<16xf32>,
        tpu.vector_store_idx %arg15[%get3A_92], %get3A_100 {add = true} : memref<50048xf32, #tpu.memory_space<vmem>>[vector<16xi32>], vector<16xf32>,
        tpu.vector_store_idx %arg16[%get3A_96], %get3A_100 {add = true} : memref<50048xf32, #tpu.memory_space<vmem>>[vector<16xi32>], vector<16xf32>,
      }
      %scan3A_74 = arith.constant 196 : i32
      %dma_wait3A_75 = tpu.memref_slice %arg2[%add3A_44] : memref<1605632xi32, #tpu.memory_space<hbm>> -> memref<3136xi32, #tpu.memory_space<hbm>>
      %dma_wait3A_76 = tpu.memref_slice %arg2[%add3A_44] : memref<1605632xi32, #tpu.memory_space<hbm>> -> memref<3136xi32, #tpu.memory_space<hbm>>
      tpu.wait_dma2 semaphore(%arg14 : memref<!tpu.dma_semaphore, #tpu.memory_space<semaphore_mem>>) src(%dma_wait3A_76 : memref<3136xi32, #tpu.memory_space<hbm>>) dst(%arg10 : memref<3136xi32, #tpu.memory_space<vmem>>)
      %dma_wait3A_77 = tpu.memref_slice %arg3[%add3A_44] : memref<1605632xi32, #tpu.memory_space<hbm>> -> memref<3136xi32, #tpu.memory_space<hbm>>
      %dma_wait3A_78 = tpu.memref_slice %arg3[%add3A_44] : memref<1605632xi32, #tpu.memory_space<hbm>> -> memref<3136xi32, #tpu.memory_space<hbm>>
      tpu.wait_dma2 semaphore(%arg14 : memref<!tpu.dma_semaphore, #tpu.memory_space<semaphore_mem>>) src(%dma_wait3A_78 : memref<3136xi32, #tpu.memory_space<hbm>>) dst(%arg11 : memref<3136xi32, #tpu.memory_space<vmem>>)
      %dma_wait3A_79 = arith.constant 3 : i32
      %dma_wait3A_80 = tpu.memref_slice %arg4[%dma_wait3A_79, %add3A_44] : memref<4x1605632xf32, #tpu.memory_space<hbm>> -> memref<1x3136xf32, #tpu.memory_space<hbm>>
      %dma_wait3A_81 = tpu.memref_squeeze %dma_wait3A_80 : memref<1x3136xf32, #tpu.memory_space<hbm>> -> memref<3136xf32, #tpu.memory_space<hbm>>
      %dma_wait3A_82 = tpu.memref_slice %arg4[%dma_wait3A_79, %add3A_44] : memref<4x1605632xf32, #tpu.memory_space<hbm>> -> memref<1x3136xf32, #tpu.memory_space<hbm>>
      %dma_wait3A_83 = tpu.memref_squeeze %dma_wait3A_82 : memref<1x3136xf32, #tpu.memory_space<hbm>> -> memref<3136xf32, #tpu.memory_space<hbm>>
      tpu.wait_dma2 semaphore(%arg14 : memref<!tpu.dma_semaphore, #tpu.memory_space<semaphore_mem>>) src(%dma_wait3A_83 : memref<3136xf32, #tpu.memory_space<hbm>>) dst(%arg12 : memref<3136xf32, #tpu.memory_space<vmem>>)
      %scan3A_84 = arith.constant 0 : i32
      %scan3A_85 = arith.constant 196 : i32
      %scan3A_86 = arith.addi %scan3A_84, %scan3A_85 : i32
      %scan3A_87 = arith.constant 1 : i32
      scf.for %scan3A_89 = %scan3A_84 to %scan3A_86 step %scan3A_87  : i32 {
        %mul3A_90 = arith.constant 16 : i32
        %mul3A_91 = arith.muli %scan3A_89, %mul3A_90 : i32
        %get3A = arith.index_cast %mul3A_91 : i32 to index
        %get3A_92 = tpu.vector_load %arg10[%get3A] {strides = array<i32>} : memref<3136xi32, #tpu.memory_space<vmem>>, vector<16xi32>,
        %mul3A_93 = arith.constant 16 : i32
        %mul3A_94 = arith.muli %scan3A_89, %mul3A_93 : i32
        %get3A_95 = arith.index_cast %mul3A_94 : i32 to index
        %get3A_96 = tpu.vector_load %arg11[%get3A_95] {strides = array<i32>} : memref<3136xi32, #tpu.memory_space<vmem>>, vector<16xi32>,
        %mul3A_97 = arith.constant 16 : i32
        %mul3A_98 = arith.muli %scan3A_89, %mul3A_97 : i32
        %get3A_99 = arith.index_cast %mul3A_98 : i32 to index
        %get3A_100 = tpu.vector_load %arg12[%get3A_99] {strides = array<i32>} : memref<3136xf32, #tpu.memory_space<vmem>>, vector<16xf32>,
        tpu.vector_store_idx %arg15[%get3A_92], %get3A_100 {add = true} : memref<50048xf32, #tpu.memory_space<vmem>>[vector<16xi32>], vector<16xf32>,
        tpu.vector_store_idx %arg16[%get3A_96], %get3A_100 {add = true} : memref<50048xf32, #tpu.memory_space<vmem>>[vector<16xi32>], vector<16xf32>,
      }
      %scan3A_88 = arith.constant 196 : i32
    }
    %scan3A_32 = arith.constant 8 : i32
    %run_scoped3A_33 = arith.constant 3 : i32
    %run_scoped3A_34 = arith.constant 0 : i32
    "tpu.region"() ({
      %run_scoped3A_37 = tpu.sem_alloc : memref<!tpu.dma_semaphore, #tpu.memory_space<semaphore_mem>>
      %dma_start3A = arith.constant 0 : i32
      %dma_start3A_38 = tpu.memref_slice %arg6[%run_scoped3A_33, %run_scoped3A_34, %add3A, %dma_start3A] : memref<4x2x32x50048xf32, #tpu.memory_space<hbm>> -> memref<1x1x1x50048xf32, #tpu.memory_space<hbm>>
      %dma_start3A_39 = tpu.memref_squeeze %dma_start3A_38 : memref<1x1x1x50048xf32, #tpu.memory_space<hbm>> -> memref<50048xf32, #tpu.memory_space<hbm>>
      %dma_start3A_40 = arith.constant 0 : i32
      %dma_start3A_41 = tpu.memref_slice %arg6[%run_scoped3A_33, %run_scoped3A_34, %add3A, %dma_start3A_40] : memref<4x2x32x50048xf32, #tpu.memory_space<hbm>> -> memref<1x1x1x50048xf32, #tpu.memory_space<hbm>>
      %dma_start3A_42 = tpu.memref_squeeze %dma_start3A_41 : memref<1x1x1x50048xf32, #tpu.memory_space<hbm>> -> memref<50048xf32, #tpu.memory_space<hbm>>
      tpu.enqueue_dma source(%arg15 : memref<50048xf32, #tpu.memory_space<vmem>>) target(%dma_start3A_42 : memref<50048xf32, #tpu.memory_space<hbm>>) target_semaphore(%run_scoped3A_37 : memref<!tpu.dma_semaphore, #tpu.memory_space<semaphore_mem>>)
      %dma_wait3A = arith.constant 0 : i32
      %dma_wait3A_43 = tpu.memref_slice %arg6[%run_scoped3A_33, %run_scoped3A_34, %add3A, %dma_wait3A] : memref<4x2x32x50048xf32, #tpu.memory_space<hbm>> -> memref<1x1x1x50048xf32, #tpu.memory_space<hbm>>
      %dma_wait3A_44 = tpu.memref_squeeze %dma_wait3A_43 : memref<1x1x1x50048xf32, #tpu.memory_space<hbm>> -> memref<50048xf32, #tpu.memory_space<hbm>>
      %dma_wait3A_45 = arith.constant 0 : i32
      %dma_wait3A_46 = tpu.memref_slice %arg6[%run_scoped3A_33, %run_scoped3A_34, %add3A, %dma_wait3A_45] : memref<4x2x32x50048xf32, #tpu.memory_space<hbm>> -> memref<1x1x1x50048xf32, #tpu.memory_space<hbm>>
      %dma_wait3A_47 = tpu.memref_squeeze %dma_wait3A_46 : memref<1x1x1x50048xf32, #tpu.memory_space<hbm>> -> memref<50048xf32, #tpu.memory_space<hbm>>
      tpu.wait_dma2 semaphore(%run_scoped3A_37 : memref<!tpu.dma_semaphore, #tpu.memory_space<semaphore_mem>>) src(%arg15 : memref<50048xf32, #tpu.memory_space<vmem>>) dst(%dma_wait3A_47 : memref<50048xf32, #tpu.memory_space<hbm>>)
      tpu.yield
    }) : () -> ()
    %run_scoped3A_35 = arith.constant 3 : i32
    %run_scoped3A_36 = arith.constant 1 : i32
    "tpu.region"() ({
      %run_scoped3A_37 = tpu.sem_alloc : memref<!tpu.dma_semaphore, #tpu.memory_space<semaphore_mem>>
      %dma_start3A = arith.constant 0 : i32
      %dma_start3A_38 = tpu.memref_slice %arg6[%run_scoped3A_35, %run_scoped3A_36, %add3A, %dma_start3A] : memref<4x2x32x50048xf32, #tpu.memory_space<hbm>> -> memref<1x1x1x50048xf32, #tpu.memory_space<hbm>>
      %dma_start3A_39 = tpu.memref_squeeze %dma_start3A_38 : memref<1x1x1x50048xf32, #tpu.memory_space<hbm>> -> memref<50048xf32, #tpu.memory_space<hbm>>
      %dma_start3A_40 = arith.constant 0 : i32
      %dma_start3A_41 = tpu.memref_slice %arg6[%run_scoped3A_35, %run_scoped3A_36, %add3A, %dma_start3A_40] : memref<4x2x32x50048xf32, #tpu.memory_space<hbm>> -> memref<1x1x1x50048xf32, #tpu.memory_space<hbm>>
      %dma_start3A_42 = tpu.memref_squeeze %dma_start3A_41 : memref<1x1x1x50048xf32, #tpu.memory_space<hbm>> -> memref<50048xf32, #tpu.memory_space<hbm>>
      tpu.enqueue_dma source(%arg16 : memref<50048xf32, #tpu.memory_space<vmem>>) target(%dma_start3A_42 : memref<50048xf32, #tpu.memory_space<hbm>>) target_semaphore(%run_scoped3A_37 : memref<!tpu.dma_semaphore, #tpu.memory_space<semaphore_mem>>)
      %dma_wait3A = arith.constant 0 : i32
      %dma_wait3A_43 = tpu.memref_slice %arg6[%run_scoped3A_35, %run_scoped3A_36, %add3A, %dma_wait3A] : memref<4x2x32x50048xf32, #tpu.memory_space<hbm>> -> memref<1x1x1x50048xf32, #tpu.memory_space<hbm>>
      %dma_wait3A_44 = tpu.memref_squeeze %dma_wait3A_43 : memref<1x1x1x50048xf32, #tpu.memory_space<hbm>> -> memref<50048xf32, #tpu.memory_space<hbm>>
      %dma_wait3A_45 = arith.constant 0 : i32
      %dma_wait3A_46 = tpu.memref_slice %arg6[%run_scoped3A_35, %run_scoped3A_36, %add3A, %dma_wait3A_45] : memref<4x2x32x50048xf32, #tpu.memory_space<hbm>> -> memref<1x1x1x50048xf32, #tpu.memory_space<hbm>>
      %dma_wait3A_47 = tpu.memref_squeeze %dma_wait3A_46 : memref<1x1x1x50048xf32, #tpu.memory_space<hbm>> -> memref<50048xf32, #tpu.memory_space<hbm>>
      tpu.wait_dma2 semaphore(%run_scoped3A_37 : memref<!tpu.dma_semaphore, #tpu.memory_space<semaphore_mem>>) src(%arg16 : memref<50048xf32, #tpu.memory_space<vmem>>) dst(%dma_wait3A_47 : memref<50048xf32, #tpu.memory_space<hbm>>)
      tpu.yield
    }) : () -> ()
    return
  }
}

</mosaic_0001>

<sc_bundles>
// kernel: _sc_call.3.cloned.1.call-start
scs
__scs_entry_jumppad:
0x0: {  	(pc) =	sbr.rel $0x88, $3  }
0x1: {  	(tag) =	ssettag $0x0;
	lr =	simm.s32 $0x1  }
0x2: {  	[smem:$0x3F9D] =	sst lr;
	_ =	strace $0xD0000000  }
0x3: {  	_ = 	snop  }
0x4: {  	_ = 	snop  }
0x5: {  	_ = 	snop  }
0x6: {  	_ = 	snop  }
0x7: {  	_ = 	snop  }
__scs_overlays_trampoline_lowered:
0x8: {  	[smem:$0x3FAC] =	sst s0  }
0x9: {  	[smem:$0x3FAD] =	sst s1  }
0xa: {  	[smem:$0x3FAE] =	sst s2  }
0xb: {  	[smem:$0x3FAF] =	sst s3  }
0xc: {  	[smem:$0x3FB0] =	sst s4  }
0xd: {  	[smem:$0x3FB1] =	sst s5  }
0xe: {  	[smem:$0x3FB2] =	sst s6  }
0xf: {  	[smem:$0x3FB3] =	sst s7  }
0x10: {  	[smem:$0x3FB4] =	sst s8  }
0x11: {  	[smem:$0x3FB5] =	sst s9;
	s0 =	simm.s32 @!p0 $0x0  }
0x12: {  	s1 =	sld [smem:$0x3F9B];
	s0 =	simm.s32 @p0 $0x1  }
0x13: {  	[smem:$0x3FB6] =	sst s0;
	s0 =	simm.s32 @!p1 $0x0  }
0x14: {  	s2 =	sld [smem:$0x3F9A];
	s0 =	simm.s32 @p1 $0x1  }
0x15: {  	[smem:$0x3FB7] =	sst s0;
	s0 =	simm.s32 @!p2 $0x0  }
0x16: {  	s3 =	sld [smem:$0x3FDB];
	s0 =	simm.s32 @p2 $0x1  }
0x17: {  	s4 =	simm.s32 $0x1BF5;
	[smem:$0x3FB9] =	sst s0  }
0x18: {  	s0 =	sld [smem:$0x3F9C];
	_ =	swait.ge [sflag:s4], $0x0  }
0x19: {  	s7 =	sld [smem:$0x3F9D]  }
0x1a: {  	s8 =	sadd.s32 $0xFFFFE003, lr  }
0x1b: {  	s9 =	sadd.s32 $0xFFFFFEF7, lr;
	s5 =	simm.s32 $0xFFFFFFFF;
	p2 =	slt.u32 s8, $0xFFFFF086  }
0x1c: {  	p1 =	slt.u32 s9, $0xF7A;
	s5 =	simm.s32 @!p2 $0x0  }
0x1d: {  	s5 =	simm.s32 @p1 $0x1;
	p0 =	seq.s32 s7, s2  }
0x1e: {  	s7 =	smul.u32 @!p0 $0xF7A, s2;
	p2 =	seq.s32 @!p0 s5, $0x0  }
0x1f: {  	s9 =	smul.u32 $0xF7A, s1;
	s8 =	simm.s32 @!p0 $0x1BF5;
	p2 =	por !p2, p0  }
0x20: {  	[sflag:s8] =	ssyncset.s32 @!p0 $0xFFFFF086;
	s6 =	sadd.s32 @!p0 s3, s7;
	s7 =	simm.s32 @!p0 $0x108  }
0x21: {  	s3 =	sadd.s32 s3, s9;
	s6 =	sadd.s32 @!p0 $0x88, s6;
	s7 =	simm.s32 @p2 $0x1082  }
0x22: {  	[simem:s7], [sflag:s8] =	dma.local @!p0 [hbm:s6], $0xF7A  }
0x23: {  	s9 =	sor.u32 $0xD0000000, s2;
	s6 =	simm.s32 $0x108;
	_ =	swait.ge @!p0 [sflag:s8], $0x0  }
0x24: {  	s3 =	sadd.s32 $0x88, s3;
	s6 =	simm.s32 @!p1 $0x1082;
	[sflag:s4] =	ssyncset.s32 $0xFFFFF086  }
0x25: {  	[simem:s6], [sflag:s4] =	dma.local [hbm:s3], $0xF7A  }
0x26: {  	[smem:$0x3F9D] =	sst s1;
	(tag) =	ssettag s2;
	_ =	strace s9  }
0x27: {  	s1 =	sld [smem:$0x3FAD]  }
0x28: {  	s2 =	sld [smem:$0x3FAE]  }
0x29: {  	s4 =	sld [smem:$0x3FB0]  }
0x2a: {  	p0 =	seq.s32 s5, $0x0;
	s5 =	sld [smem:$0x3FB1]  }
0x2b: {  	s6 =	sld [smem:$0x3FB2]  }
0x2c: {  	s7 =	sld [smem:$0x3FB3]  }
0x2d: {  	s3 =	simm.s32 $0x108;
	s8 =	sld [smem:$0x3FB4]  }
0x2e: {  	s3 =	simm.s32 @!p0 $0x1082;
	s9 =	sld [smem:$0x3FB5]  }
0x2f: {  	lr =	sadd.s32 s0, s3;
	s0 =	sld [smem:$0x3FAC]  }
0x30: {  	s3 =	sld [smem:$0x3FAF]  }
0x31: {  	[smem:$0x3FB8] =	sst s10  }
0x32: {  	s10 =	sld [smem:$0x3FB6];
	_ =	sdelay $0x3  }
0x33: {  	p0 =	seq.s32 s10, $0x1;
	s10 =	sld [smem:$0x3FB8];
	_ =	sdelay $0x3  }
0x34: {  	[smem:$0x3FB8] =	sst s10  }
0x35: {  	s10 =	sld [smem:$0x3FB7];
	_ =	sdelay $0x3  }
0x36: {  	p1 =	seq.s32 s10, $0x1;
	s10 =	sld [smem:$0x3FB8];
	_ =	sdelay $0x3  }
0x37: {  	[smem:$0x3FB8] =	sst s10  }
0x38: {  	s10 =	sld [smem:$0x3FB9]  }
0x39: {  	_ = 	snop;
	(pc) =	sbr.ind lr, $3  }
0x3a: {  	_ = 	snop  }
0x3b: {  	_ = 	snop  }
0x3c: {  	p2 =	seq.s32 s10, $0x1;
	s10 =	sld [smem:$0x3FB8]  }
0x3d: {  	_ =	shalt  }
0x3e: {  	_ =	shalt  }
0x3f: {  	_ =	shalt  }
0x40: {  	_ =	shalt  }
0x41: {  	_ =	shalt  }
0x42: {  	_ =	shalt  }
0x43: {  	_ =	shalt  }
0x44: {  	_ =	shalt  }
0x45: {  	_ =	shalt  }
0x46: {  	_ =	shalt  }
0x47: {  	_ =	shalt  }
0x48: {  	_ =	shalt  }
0x49: {  	_ =	shalt  }
0x4a: {  	_ =	shalt  }
0x4b: {  	_ =	shalt  }
0x4c: {  	_ =	shalt  }
0x4d: {  	_ =	shalt  }
0x4e: {  	_ =	shalt  }
0x4f: {  	_ =	shalt  }
0x50: {  	_ =	shalt  }
0x51: {  	_ =	shalt  }
0x52: {  	_ =	shalt  }
0x53: {  	_ =	shalt  }
0x54: {  	_ =	shalt  }
0x55: {  	_ =	shalt  }
0x56: {  	_ =	shalt  }
0x57: {  	_ =	shalt  }
0x58: {  	_ =	shalt  }
0x59: {  	_ =	shalt  }
0x5a: {  	_ =	shalt  }
0x5b: {  	_ =	shalt  }
0x5c: {  	_ =	shalt  }
0x5d: {  	_ =	shalt  }
0x5e: {  	_ =	shalt  }
0x5f: {  	_ =	shalt  }
0x60: {  	_ =	shalt  }
0x61: {  	_ =	shalt  }
0x62: {  	_ =	shalt  }
0x63: {  	_ =	shalt  }
0x64: {  	_ =	shalt  }
0x65: {  	_ =	shalt  }
0x66: {  	_ =	shalt  }
0x67: {  	_ =	shalt  }
0x68: {  	_ =	shalt  }
0x69: {  	_ =	shalt  }
0x6a: {  	_ =	shalt  }
0x6b: {  	_ =	shalt  }
0x6c: {  	_ =	shalt  }
0x6d: {  	_ =	shalt  }
0x6e: {  	_ =	shalt  }
0x6f: {  	_ =	shalt  }
0x70: {  	_ =	shalt  }
0x71: {  	_ =	shalt  }
0x72: {  	_ =	shalt  }
0x73: {  	_ =	shalt  }
0x74: {  	_ =	shalt  }
0x75: {  	_ =	shalt  }
0x76: {  	_ =	shalt  }
0x77: {  	_ =	shalt  }
0x78: {  	_ =	shalt  }
0x79: {  	_ =	shalt  }
0x7a: {  	_ =	shalt  }
0x7b: {  	_ =	shalt  }
0x7c: {  	_ =	shalt  }
0x7d: {  	_ =	shalt  }
0x7e: {  	_ =	shalt  }
0x7f: {  	_ =	shalt  }
0x80: {  	_ =	shalt  }
0x81: {  	_ =	shalt  }
0x82: {  	_ =	shalt  }
0x83: {  	_ =	shalt  }
0x84: {  	_ =	shalt  }
0x85: {  	_ =	shalt  }
0x86: {  	_ =	shalt  }
0x87: {  	_ =	shalt  }
.Lfunc_end0:
.L_simem_size_0:
called_computation_lowered:
.L_overlay_start_0:
0x88: {  	s2 =	sld [smem:$0x3FD9]  }
0x89: {  	s3 =	sld [smem:$0x3FFE];
	_ =	sdelay $0x1  }
0x8a: {  	s1 =	srdreg.scid  }
0x8b: {  	s0 =	sand.u32 $0x1, s1  }
0x8c: {  	s17 =	sshll.u32 s0, $0xA;
	s2 =	sadd.s32 s3, s2  }
0x8d: {  	s2 =	sadd.s32 s2, s17  }
0x8e: {  	[smem:$0x3FC4] =	sst s2  }
0x8f: {  	_ = 	snop  }
0x90: {  	s2 =	sld [smem:$0x3FC9]  }
0x91: {  	s18 =	sld [smem:$0x3FC8]  }
0x92: {  	s4 =	sld [smem:$0x3FC6]  }
0x93: {  	s5 =	sld [smem:$0x3FD0];
	(tm) =	ssettm $0x1  }
0x94: {  	s6 =	sld [smem:$0x3FFB];
	_ =	sdelay $0x3  }
0x95: {  	_ =	strace s6  }
0x96: {  	s6 =	sld [smem:$0x3FFC];
	_ =	sdelay $0x3  }
0x97: {  	_ =	strace s6  }
0x98: {  	s6 =	sld [smem:$0x3FFD];
	_ =	sdelay $0x3  }
0x99: {  	_ =	strace s6  }
0x9a: {  	_ =	strace $0x8FFFFFFF  }
0x9b: {  	s19 =	sld [smem:$0x3FDB];
	_ =	sdelay $0x1  }
0x9c: {  	s7 =	simm.s32 $_scs_section_size  }
0x9d: {  	s8 =	simm.s32 $_size__tile_overlayer_lowered;
	s9 =	simm.s32 $_tile_overlayer_lowered  }
0x9e: {  	s22 =	simm.s32 $0x1BFF;
	s21 =	sshll.u32 s9, $0x1;
	s6 =	sadd.s32 s7, s19  }
0x9f: {  	s10 =	simm.s32 $0x0;
	s20 =	sshll.u32 s8, $0x1;
	s8 =	sadd.s32 s21, s6  }
0xa0: {  	[timem:s10], [sflag:s22] =	dma.local [hbm:s8], s20  }
0xa1: {  	_ =	swait.ge [sflag:s22], s20  }
0xa2: {  	s7 =	ssub.s32 $0x0, s20;
	[sflag:s22] =	ssyncset.done $0x0  }
0xa3: {  	[sflag:s22] =	ssyncadd.s32 s7;
	_ =	sdelay $0x1  }
0xa4: {  	s23 =	simm.s32 $0x1B8B  }
0xa5: {  	_ =	swait.ge [sflag:s23], $0x1  }
0xa6: {  	[sflag:s23] =	ssyncset.done $0x0  }
0xa7: {  	s25 =	simm.s32 $0x1B8E;
	s24 =	sld [smem:$0x3FFE];
	[sflag:s23] =	ssyncadd.s32 $0xFFFFFFFF  }
0xa8: {  	s26 =	simm.s32 $execute0_lowered;
	[smem:$0x3FD2] =	sst s25  }
0xa9: {  	s8 =	sshll.u32 s26, $0x1;
	_ =	strace $0x80000046;
	[dreg:$0x1] =	wrdreg $0xFFFFFFFF  }
0xaa: {  	s28 =	simm.s32 $_size_execute0_lowered;
	s6 =	sadd.s32 s6, s8;
	[dreg:$0x0] =	wrdreg $0x0  }
0xab: {  	s8 =	sshll.u32 s28, $0x1;
	[dreg:$0x2] =	wrdreg s6  }
0xac: {  	[dreg:$0x3] =	wrdreg s8  }
0xad: {  	[dreg:$0x4] =	wrdreg $0xC0  }
0xae: {  	_ =	task [dreg:s10], $0x5FFFF  }
0xaf: {  	[dreg:$0x1] =	wrdreg $0xFFFFFFFF  }
0xb0: {  	[dreg:$0x0] =	wrdreg $0x60  }
0xb1: {  	[dreg:$0x2] =	wrdreg s2  }
0xb2: {  	[dreg:$0x3] =	wrdreg s18  }
0xb3: {  	[dreg:$0x4] =	wrdreg s5  }
0xb4: {  	[dreg:$0x5] =	wrdreg s4  }
0xb5: {  	[dreg:$0x6] =	wrdreg s24  }
0xb6: {  	[dreg:$0x7] =	wrdreg $0x9  }
0xb7: {  	_ =	task.clear_ibuf [dreg:s10], $0x8FFFF;
	_ =	strace $0x90000046  }
0xb8: {  	s29 =	simm.s32 $0x9;
	_ =	strace $0x80000048  }
0xb9: {  	_ =	swait.ge [sflag:s29], $0x1  }
0xba: {  	[sflag:s29] =	ssyncadd.s32 $0xFFFFFFFF  }
0xbb: {  	_ =	strace $0x90000048  }
0xbc: {  	_ =	sfence  }
0xbd: {  	s30 =	sld [smem:$0x0];
	_ =	sdelay $0x2  }
0xbe: {  	s31 =	sshll.u32 s1, $0xD;
	s1 =	sshrl.u32 s1, $0x2  }
0xbf: {  	s3 =	sand.u32 $0x4000, s31;
	s1 =	sadd.s32 s1, s30  }
0xc0: {  	s0 =	sor.u32 s3, s0;
	s1 =	sshll.u32 s1, $0x11  }
0xc1: {  	s0 =	sor.u32 s1, s0  }
0xc2: {  	s0 =	sadd.s32 $0x8F2B, s0  }
0xc3: {  	[sflag:s0] =	ssyncadd.remote.s32 $0x1  }
0xc4: {  	_ =	sfence.sel $0xFFFF  }
0xc5: {  	[dreg:$0x0] =	wrdreg $0xFFFFFFFF;
	(pc) =	sbr.abs _section_cstart, $3  }
0xc6: {  	[dreg:$0x1] =	wrdreg $0xFFFFFFFF  }
0xc7: {  	_ =	task.clear_ibuf [dreg:s10], $0x2FFFF;
	_ =	strace $0x9FFFFFFF  }
0xc8: {  	(tm) =	ssettm $0x7FFFFFFF  }
0xc9: {  	_ =	shalt  }
tec
execute0_lowered:
.L_overlay_start_1:
0x0: {  	(tag) =	ssettag $0x1  }
0x1: {  	s1 =	rddreg [dreg:$0x0]  }
0x2: {  	s2 =	rddreg [dreg:$0x1]  }
0x3: {  	s3 =	rddreg [dreg:$0x2]  }
0x4: {  	s4 =	srdreg.scid;
	s5 =	rddreg [dreg:$0x3]  }
0x5: {  	s0 =	stileid.u32;
	s7 =	rddreg [dreg:$0x4]  }
0x6: {  	s17 =	simm.s32 $0x4980;
	s18 =	simm.s32 $0x3;
	s19 =	simm.s32 $0x10D00  }
0x7: {  	s20 =	simm.s32 $0xC40;
	s21 =	simm.s32 $0x1880;
	s22 =	simm.s32 $0x24C0  }
0x8: {  	s23 =	simm.s32 $0x3100;
	s4 =	sand.u32 $0x1, s4;
	s6 =	sshll.u32 s0, $0x1  }
0x9: {  	s24 =	simm.s32 $0x3D40;
	s25 =	simm.s32 $0x1;
	s8 =	sor.u32 s4, s6  }
0xa: {  	s26 =	simm.s32 $0x2;
	s6 =	simm.s32 $0x0;
	s9 =	smul.u32 $0xC380, s8  }
0xb: {  	s28 =	simm.s32 $0x0;
	s4 =	ssub.s32 $0x2, s4;
	[smem:$0x7FF] =	sst s6  }
0xc: {  	s14 =	sshrl.u32 s4, $0x1;
	_ =	strace $0x80000047;
	s9 =	sshrl.u32 s9, $0x3  }
0xd: {  	s4 =	ssub.s32 s4, s14;
	s15 =	sadd.s32 s9, s7;
	s7 =	smul.u32 $0xC400, s8  }
0xe: {  	s8 =	sadd.s32 $0x400, s15;
	s9 =	sadd.s32 $0x31200, s15;
	s10 =	sadd.s32 $0x62000, s15  }
0xf: {  	s11 =	sadd.s32 $0x92E00, s15;
	s12 =	sadd.s32 $0xC3C00, s15;
	s13 =	sadd.s32 $0xF4A00, s15  }
0x10: {  	s16 =	smax.u32 s4, $0x1;
	s14 =	sadd.s32 $0x125800, s15;
	s15 =	sadd.s32 $0x156600, s15  }
.LBB2_1:
0x11: {  	[tilespmem:s17], [sflag:$0x3] =	stream.linear.gather [hbm4b:s5+s6], $0xC380, $0x38;
	[tilespmem:$0x1D080] =	vst v63  }
0x12: {  	_ =	swait.ge [sflag:s18], $0xC380  }
0x13: {  	[sflag:s18] =	ssyncset.done $0x0  }
0x14: {  	[sflag:s18] =	ssyncadd.s32 $0xFFFF3C80  }
0x15: {  	[tilespmem:s19], [sflag:$0x3] =	stream.linear.gather [hbm4b:s5+s6], $0xC380, $0x38;
	[tilespmem:$0x1D080] =	vst v63  }
0x16: {  	_ =	swait.ge [sflag:s18], $0xC380  }
0x17: {  	[sflag:s18] =	ssyncset.done $0x0  }
0x18: {  	s29 =	simm.s32 $0x0;
	[sflag:s18] =	ssyncadd.s32 $0xFFFF3C80  }
.LBB2_2:
0x19: {  	s4 =	smul.u32 $0x1880, s29;
	_ =	sdelay $0x1  }
0x1a: {  	s4 =	sadd.s32 s7, s4  }
0x1b: {  	s4 =	sshrl.u32 s4, $0x3  }
0x1c: {  	s31 =	simm.s32 $0x0;
	s30 =	sadd.s32 s1, s4  }
0x1d: {  	[tilespmem:s31], [sflag:$0x1] =	stream.linear.gather [hbm4b:s30+s31], $0xC40, $0x38;
	[tilespmem:$0x1D080] =	vst v63  }
0x1e: {  	s30 =	sadd.s32 s2, s4  }
0x1f: {  	[tilespmem:s20], [sflag:$0x1] =	stream.linear.gather [hbm4b:s30+s31], $0xC40, $0x38;
	[tilespmem:$0x1D080] =	vst v63  }
0x20: {  	s30 =	sadd.s32 s3, s4;
	s4 =	sadd.s32 $0x188, s4  }
0x21: {  	[tilespmem:s21], [sflag:$0x1] =	stream.linear.gather [hbm4b:s30+s31], $0xC40, $0x38;
	[tilespmem:$0x1D080] =	vst v63  }
0x22: {  	s30 =	sadd.s32 s1, s4  }
0x23: {  	[tilespmem:s22], [sflag:$0x2] =	stream.linear.gather [hbm4b:s30+s31], $0xC40, $0x38;
	[tilespmem:$0x1D080] =	vst v63  }
0x24: {  	s30 =	sadd.s32 s2, s4  }
0x25: {  	[tilespmem:s23], [sflag:$0x2] =	stream.linear.gather [hbm4b:s30+s31], $0xC40, $0x38;
	[tilespmem:$0x1D080] =	vst v63  }
0x26: {  	s4 =	sadd.s32 s3, s4  }
0x27: {  	[tilespmem:s24], [sflag:$0x2] =	stream.linear.gather [hbm4b:s4+s31], $0xC40, $0x38;
	[tilespmem:$0x1D080] =	vst v63  }
0x28: {  	_ =	swait.ge [sflag:s25], $0xC40  }
0x29: {  	[sflag:s25] =	ssyncset.done $0x0  }
0x2a: {  	[sflag:s25] =	ssyncadd.s32 $0xFFFFF3C0  }
0x2b: {  	_ =	swait.ge [sflag:s25], $0xC40  }
0x2c: {  	[sflag:s25] =	ssyncset.done $0x0  }
0x2d: {  	[sflag:s25] =	ssyncadd.s32 $0xFFFFF3C0  }
0x2e: {  	_ =	swait.ge [sflag:s25], $0xC40  }
0x2f: {  	[sflag:s25] =	ssyncset.done $0x0  }
0x30: {  	s31 =	simm.s32 $0x0;
	[sflag:s25] =	ssyncadd.s32 $0xFFFFF3C0  }
0x31: {  	s30 =	simm.s32 $0x40;
	v0 =	vld [tilespmem:s31+$0x0]  }
.LBB2_3:
0x32: {  	p0 =	sne.s32 s30, $0x30C0;
	v1 =	vld [tilespmem:s31+$0xC40];
	_ =	sdelay $0x1  }
0x33: {  	v2 =	vld [tilespmem:s31+$0x1880];
	_ =	sdelay $0x2  }
.Ltmp0:
0x34: {  	(pc) =	sbr.rel @p0 .LBB2_3-.Ltmp0, $4  }
0x35: {  	_ = 	snop  }
0x36: {  	[tilespmem:v0+s17+$0x0] =	vst.idx.add.f32.msk $0xffff, v2  }
0x37: {  	s31 =	sshra.s32 s30, $0x2;
	[tilespmem:v1+s19+$0x0] =	vst.idx.add.f32.msk $0xffff, v2  }
0x38: {  	s30 =	sadd.s32 $0x40, s30;
	v0 =	vld [tilespmem:s31+$0x0]  }
0x39: {  	_ = 	snop  }
0x3a: {  	v1 =	vld [tilespmem:s31+$0xC40];
	_ =	sdelay $0x1  }
0x3b: {  	v2 =	vld [tilespmem:s31+$0x1880];
	_ =	sdelay $0x4  }
0x3c: {  	[tilespmem:v0+s17+$0x0] =	vst.idx.add.f32.msk $0xffff, v2  }
0x3d: {  	[tilespmem:v1+s19+$0x0] =	vst.idx.add.f32.msk $0xffff, v2  }
0x3e: {  	_ =	swait.ge [sflag:s26], $0xC40  }
0x3f: {  	[sflag:s26] =	ssyncset.done $0x0  }
0x40: {  	[sflag:s26] =	ssyncadd.s32 $0xFFFFF3C0  }
0x41: {  	_ =	swait.ge [sflag:s26], $0xC40  }
0x42: {  	[sflag:s26] =	ssyncset.done $0x0  }
0x43: {  	[sflag:s26] =	ssyncadd.s32 $0xFFFFF3C0  }
0x44: {  	_ =	swait.ge [sflag:s26], $0xC40  }
0x45: {  	[sflag:s26] =	ssyncset.done $0x0  }
0x46: {  	s31 =	simm.s32 $0x0;
	[sflag:s26] =	ssyncadd.s32 $0xFFFFF3C0  }
0x47: {  	s30 =	simm.s32 $0x40;
	v0 =	vld [tilespmem:s31+$0x24C0]  }
.LBB2_5:
0x48: {  	p0 =	sne.s32 s30, $0x30C0;
	v1 =	vld [tilespmem:s31+$0x3100];
	_ =	sdelay $0x1  }
0x49: {  	v2 =	vld [tilespmem:s31+$0x3D40];
	_ =	sdelay $0x2  }
.Ltmp1:
0x4a: {  	(pc) =	sbr.rel @p0 .LBB2_5-.Ltmp1, $4  }
0x4b: {  	_ = 	snop  }
0x4c: {  	[tilespmem:v0+s17+$0x0] =	vst.idx.add.f32.msk $0xffff, v2  }
0x4d: {  	s31 =	sshra.s32 s30, $0x2;
	[tilespmem:v1+s19+$0x0] =	vst.idx.add.f32.msk $0xffff, v2  }
0x4e: {  	s30 =	sadd.s32 $0x40, s30;
	v0 =	vld [tilespmem:s31+$0x24C0]  }
0x4f: {  	_ = 	snop  }
0x50: {  	v1 =	vld [tilespmem:s31+$0x3100];
	_ =	sdelay $0x1  }
0x51: {  	v2 =	vld [tilespmem:s31+$0x3D40];
	s29 =	sadd.s32 $0x1, s29  }
0x52: {  	p0 =	sne.s32 s29, $0x8  }
.Ltmp2:
0x53: {  	_ = 	snop;
	(pc) =	sbr.rel @p0 .LBB2_2-.Ltmp2, $3  }
0x54: {  	_ =	sdelay $0x1  }
0x55: {  	[tilespmem:v0+s17+$0x0] =	vst.idx.add.f32.msk $0xffff, v2  }
0x56: {  	[tilespmem:v1+s19+$0x0] =	vst.idx.add.f32.msk $0xffff, v2  }
0x57: {  	s29 =	simm.s32 $0x0  }
0x58: {  	[hbm4b:s8+s29] =	stream.linear.scatter [tilespmem:s17], [sflag:$0x3], $0xC380, $0x38;
	[tilespmem:$0x1D080] =	vst v63  }
0x59: {  	_ =	swait.ge [sflag:s18], $0xC380  }
0x5a: {  	[sflag:s18] =	ssyncset.done $0x0  }
0x5b: {  	[sflag:s18] =	ssyncadd.s32 $0xFFFF3C80  }
0x5c: {  	[hbm4b:s9+s29] =	stream.linear.scatter [tilespmem:s19], [sflag:$0x3], $0xC380, $0x38;
	[tilespmem:$0x1D080] =	vst v63  }
0x5d: {  	_ =	swait.ge [sflag:s18], $0xC380  }
0x5e: {  	[sflag:s18] =	ssyncset.done $0x0  }
0x5f: {  	[sflag:s18] =	ssyncadd.s32 $0xFFFF3C80  }
0x60: {  	[tilespmem:s17], [sflag:$0x3] =	stream.linear.gather [hbm4b:s5+s29], $0xC380, $0x38;
	[tilespmem:$0x1D080] =	vst v63  }
0x61: {  	_ =	swait.ge [sflag:s18], $0xC380  }
0x62: {  	[sflag:s18] =	ssyncset.done $0x0  }
0x63: {  	[sflag:s18] =	ssyncadd.s32 $0xFFFF3C80  }
0x64: {  	[tilespmem:s19], [sflag:$0x3] =	stream.linear.gather [hbm4b:s5+s29], $0xC380, $0x38;
	[tilespmem:$0x1D080] =	vst v63  }
0x65: {  	_ =	swait.ge [sflag:s18], $0xC380  }
0x66: {  	[sflag:s18] =	ssyncset.done $0x0  }
0x67: {  	s30 =	simm.s32 $0x0;
	[sflag:s18] =	ssyncadd.s32 $0xFFFF3C80  }
.LBB2_8:
0x68: {  	s4 =	smul.u32 $0x1880, s30;
	_ =	sdelay $0x1  }
0x69: {  	s4 =	sadd.s32 s7, s4  }
0x6a: {  	s4 =	sshrl.u32 s4, $0x3  }
0x6b: {  	s31 =	sadd.s32 s1, s4  }
0x6c: {  	[tilespmem:s29], [sflag:$0x1] =	stream.linear.gather [hbm4b:s31+s29], $0xC40, $0x38;
	[tilespmem:$0x1D080] =	vst v63  }
0x6d: {  	s31 =	sadd.s32 s2, s4  }
0x6e: {  	[tilespmem:s20], [sflag:$0x1] =	stream.linear.gather [hbm4b:s31+s29], $0xC40, $0x38;
	[tilespmem:$0x1D080] =	vst v63  }
0x6f: {  	s31 =	sadd.s32 s3, s4  }
0x70: {  	s0 =	sadd.s32 $0x31000, s31  }
0x71: {  	[tilespmem:s21], [sflag:$0x1] =	stream.linear.gather [hbm4b:s0+s29], $0xC40, $0x38;
	[tilespmem:$0x1D080] =	vst v63  }
0x72: {  	s0 =	sadd.s32 $0x188, s4  }
0x73: {  	s4 =	sadd.s32 s1, s0  }
0x74: {  	[tilespmem:s22], [sflag:$0x2] =	stream.linear.gather [hbm4b:s4+s29], $0xC40, $0x38;
	[tilespmem:$0x1D080] =	vst v63  }
0x75: {  	s0 =	sadd.s32 s2, s0  }
0x76: {  	[tilespmem:s23], [sflag:$0x2] =	stream.linear.gather [hbm4b:s0+s29], $0xC40, $0x38;
	[tilespmem:$0x1D080] =	vst v63  }
0x77: {  	s4 =	sadd.s32 $0x31188, s31  }
0x78: {  	[tilespmem:s24], [sflag:$0x2] =	stream.linear.gather [hbm4b:s4+s29], $0xC40, $0x38;
	[tilespmem:$0x1D080] =	vst v63  }
0x79: {  	_ =	swait.ge [sflag:s25], $0xC40  }
0x7a: {  	[sflag:s25] =	ssyncset.done $0x0  }
0x7b: {  	[sflag:s25] =	ssyncadd.s32 $0xFFFFF3C0  }
0x7c: {  	_ =	swait.ge [sflag:s25], $0xC40  }
0x7d: {  	[sflag:s25] =	ssyncset.done $0x0  }
0x7e: {  	[sflag:s25] =	ssyncadd.s32 $0xFFFFF3C0  }
0x7f: {  	_ =	swait.ge [sflag:s25], $0xC40  }
0x80: {  	[sflag:s25] =	ssyncset.done $0x0  }
0x81: {  	s4 =	simm.s32 $0x0;
	[sflag:s25] =	ssyncadd.s32 $0xFFFFF3C0  }
0x82: {  	s31 =	simm.s32 $0x40;
	v0 =	vld [tilespmem:s4+$0x0]  }
.LBB2_9:
0x83: {  	p0 =	sne.s32 s31, $0x30C0;
	v1 =	vld [tilespmem:s4+$0xC40];
	_ =	sdelay $0x1  }
0x84: {  	v2 =	vld [tilespmem:s4+$0x1880];
	_ =	sdelay $0x2  }
.Ltmp3:
0x85: {  	(pc) =	sbr.rel @p0 .LBB2_9-.Ltmp3, $4  }
0x86: {  	_ = 	snop  }
0x87: {  	[tilespmem:v0+s17+$0x0] =	vst.idx.add.f32.msk $0xffff, v2  }
0x88: {  	s4 =	sshra.s32 s31, $0x2;
	[tilespmem:v1+s19+$0x0] =	vst.idx.add.f32.msk $0xffff, v2  }
0x89: {  	s31 =	sadd.s32 $0x40, s31;
	v0 =	vld [tilespmem:s4+$0x0]  }
0x8a: {  	_ = 	snop  }
0x8b: {  	v1 =	vld [tilespmem:s4+$0xC40];
	_ =	sdelay $0x1  }
0x8c: {  	v2 =	vld [tilespmem:s4+$0x1880];
	_ =	sdelay $0x4  }
0x8d: {  	[tilespmem:v0+s17+$0x0] =	vst.idx.add.f32.msk $0xffff, v2  }
0x8e: {  	[tilespmem:v1+s19+$0x0] =	vst.idx.add.f32.msk $0xffff, v2  }
0x8f: {  	_ =	swait.ge [sflag:s26], $0xC40  }
0x90: {  	[sflag:s26] =	ssyncset.done $0x0  }
0x91: {  	[sflag:s26] =	ssyncadd.s32 $0xFFFFF3C0  }
0x92: {  	_ =	swait.ge [sflag:s26], $0xC40  }
0x93: {  	[sflag:s26] =	ssyncset.done $0x0  }
0x94: {  	[sflag:s26] =	ssyncadd.s32 $0xFFFFF3C0  }
0x95: {  	_ =	swait.ge [sflag:s26], $0xC40  }
0x96: {  	[sflag:s26] =	ssyncset.done $0x0  }
0x97: {  	s4 =	simm.s32 $0x0;
	[sflag:s26] =	ssyncadd.s32 $0xFFFFF3C0  }
0x98: {  	s31 =	simm.s32 $0x40;
	v0 =	vld [tilespmem:s4+$0x24C0]  }
.LBB2_11:
0x99: {  	p0 =	sne.s32 s31, $0x30C0;
	v1 =	vld [tilespmem:s4+$0x3100];
	_ =	sdelay $0x1  }
0x9a: {  	v2 =	vld [tilespmem:s4+$0x3D40];
	_ =	sdelay $0x2  }
.Ltmp4:
0x9b: {  	(pc) =	sbr.rel @p0 .LBB2_11-.Ltmp4, $4  }
0x9c: {  	_ = 	snop  }
0x9d: {  	[tilespmem:v0+s17+$0x0] =	vst.idx.add.f32.msk $0xffff, v2  }
0x9e: {  	s4 =	sshra.s32 s31, $0x2;
	[tilespmem:v1+s19+$0x0] =	vst.idx.add.f32.msk $0xffff, v2  }
0x9f: {  	s31 =	sadd.s32 $0x40, s31;
	v0 =	vld [tilespmem:s4+$0x24C0]  }
0xa0: {  	_ = 	snop  }
0xa1: {  	v1 =	vld [tilespmem:s4+$0x3100];
	_ =	sdelay $0x1  }
0xa2: {  	v2 =	vld [tilespmem:s4+$0x3D40];
	s30 =	sadd.s32 $0x1, s30  }
0xa3: {  	p0 =	sne.s32 s30, $0x8  }
.Ltmp5:
0xa4: {  	_ = 	snop;
	(pc) =	sbr.rel @p0 .LBB2_8-.Ltmp5, $3  }
0xa5: {  	_ =	sdelay $0x1  }
0xa6: {  	[tilespmem:v0+s17+$0x0] =	vst.idx.add.f32.msk $0xffff, v2  }
0xa7: {  	[tilespmem:v1+s19+$0x0] =	vst.idx.add.f32.msk $0xffff, v2  }
0xa8: {  	s29 =	simm.s32 $0x0  }
0xa9: {  	[hbm4b:s10+s29] =	stream.linear.scatter [tilespmem:s17], [sflag:$0x3], $0xC380, $0x38;
	[tilespmem:$0x1D080] =	vst v63  }
0xaa: {  	_ =	swait.ge [sflag:s18], $0xC380  }
0xab: {  	[sflag:s18] =	ssyncset.done $0x0  }
0xac: {  	[sflag:s18] =	ssyncadd.s32 $0xFFFF3C80  }
0xad: {  	[hbm4b:s11+s29] =	stream.linear.scatter [tilespmem:s19], [sflag:$0x3], $0xC380, $0x38;
	[tilespmem:$0x1D080] =	vst v63  }
0xae: {  	_ =	swait.ge [sflag:s18], $0xC380  }
0xaf: {  	[sflag:s18] =	ssyncset.done $0x0  }
0xb0: {  	[sflag:s18] =	ssyncadd.s32 $0xFFFF3C80  }
0xb1: {  	[tilespmem:s17], [sflag:$0x3] =	stream.linear.gather [hbm4b:s5+s29], $0xC380, $0x38;
	[tilespmem:$0x1D080] =	vst v63  }
0xb2: {  	_ =	swait.ge [sflag:s18], $0xC380  }
0xb3: {  	[sflag:s18] =	ssyncset.done $0x0  }
0xb4: {  	[sflag:s18] =	ssyncadd.s32 $0xFFFF3C80  }
0xb5: {  	[tilespmem:s19], [sflag:$0x3] =	stream.linear.gather [hbm4b:s5+s29], $0xC380, $0x38;
	[tilespmem:$0x1D080] =	vst v63  }
0xb6: {  	_ =	swait.ge [sflag:s18], $0xC380  }
0xb7: {  	[sflag:s18] =	ssyncset.done $0x0  }
0xb8: {  	s30 =	simm.s32 $0x0;
	[sflag:s18] =	ssyncadd.s32 $0xFFFF3C80  }
.LBB2_14:
0xb9: {  	s0 =	smul.u32 $0x1880, s30;
	_ =	sdelay $0x1  }
0xba: {  	s0 =	sadd.s32 s7, s0  }
0xbb: {  	s0 =	sshrl.u32 s0, $0x3  }
0xbc: {  	s4 =	sadd.s32 s1, s0  }
0xbd: {  	[tilespmem:s29], [sflag:$0x1] =	stream.linear.gather [hbm4b:s4+s29], $0xC40, $0x38;
	[tilespmem:$0x1D080] =	vst v63  }
0xbe: {  	s4 =	sadd.s32 s2, s0  }
0xbf: {  	[tilespmem:s20], [sflag:$0x1] =	stream.linear.gather [hbm4b:s4+s29], $0xC40, $0x38;
	[tilespmem:$0x1D080] =	vst v63  }
0xc0: {  	s4 =	sadd.s32 s3, s0  }
0xc1: {  	s0 =	sadd.s32 $0x188, s0;
	s31 =	sadd.s32 $0x62000, s4  }
0xc2: {  	[tilespmem:s21], [sflag:$0x1] =	stream.linear.gather [hbm4b:s31+s29], $0xC40, $0x38;
	[tilespmem:$0x1D080] =	vst v63  }
0xc3: {  	s31 =	sadd.s32 s1, s0  }
0xc4: {  	[tilespmem:s22], [sflag:$0x2] =	stream.linear.gather [hbm4b:s31+s29], $0xC40, $0x38;
	[tilespmem:$0x1D080] =	vst v63  }
0xc5: {  	s0 =	sadd.s32 s2, s0  }
0xc6: {  	[tilespmem:s23], [sflag:$0x2] =	stream.linear.gather [hbm4b:s0+s29], $0xC40, $0x38;
	[tilespmem:$0x1D080] =	vst v63  }
0xc7: {  	s4 =	sadd.s32 $0x62188, s4  }
0xc8: {  	[tilespmem:s24], [sflag:$0x2] =	stream.linear.gather [hbm4b:s4+s29], $0xC40, $0x38;
	[tilespmem:$0x1D080] =	vst v63  }
0xc9: {  	_ =	swait.ge [sflag:s25], $0xC40  }
0xca: {  	[sflag:s25] =	ssyncset.done $0x0  }
0xcb: {  	[sflag:s25] =	ssyncadd.s32 $0xFFFFF3C0  }
0xcc: {  	_ =	swait.ge [sflag:s25], $0xC40  }
0xcd: {  	[sflag:s25] =	ssyncset.done $0x0  }
0xce: {  	[sflag:s25] =	ssyncadd.s32 $0xFFFFF3C0  }
0xcf: {  	_ =	swait.ge [sflag:s25], $0xC40  }
0xd0: {  	[sflag:s25] =	ssyncset.done $0x0  }
0xd1: {  	s4 =	simm.s32 $0x0;
	[sflag:s25] =	ssyncadd.s32 $0xFFFFF3C0  }
0xd2: {  	s31 =	simm.s32 $0x40;
	v0 =	vld [tilespmem:s4+$0x0]  }
.LBB2_15:
0xd3: {  	p0 =	sne.s32 s31, $0x30C0;
	v1 =	vld [tilespmem:s4+$0xC40];
	_ =	sdelay $0x1  }
0xd4: {  	v2 =	vld [tilespmem:s4+$0x1880];
	_ =	sdelay $0x2  }
.Ltmp6:
0xd5: {  	(pc) =	sbr.rel @p0 .LBB2_15-.Ltmp6, $4  }
0xd6: {  	_ = 	snop  }
0xd7: {  	[tilespmem:v0+s17+$0x0] =	vst.idx.add.f32.msk $0xffff, v2  }
0xd8: {  	s4 =	sshra.s32 s31, $0x2;
	[tilespmem:v1+s19+$0x0] =	vst.idx.add.f32.msk $0xffff, v2  }
0xd9: {  	s31 =	sadd.s32 $0x40, s31;
	v0 =	vld [tilespmem:s4+$0x0]  }
0xda: {  	_ = 	snop  }
0xdb: {  	v1 =	vld [tilespmem:s4+$0xC40];
	_ =	sdelay $0x1  }
0xdc: {  	v2 =	vld [tilespmem:s4+$0x1880];
	_ =	sdelay $0x4  }
0xdd: {  	[tilespmem:v0+s17+$0x0] =	vst.idx.add.f32.msk $0xffff, v2  }
0xde: {  	[tilespmem:v1+s19+$0x0] =	vst.idx.add.f32.msk $0xffff, v2  }
0xdf: {  	_ =	swait.ge [sflag:s26], $0xC40  }
0xe0: {  	[sflag:s26] =	ssyncset.done $0x0  }
0xe1: {  	[sflag:s26] =	ssyncadd.s32 $0xFFFFF3C0  }
0xe2: {  	_ =	swait.ge [sflag:s26], $0xC40  }
0xe3: {  	[sflag:s26] =	ssyncset.done $0x0  }
0xe4: {  	[sflag:s26] =	ssyncadd.s32 $0xFFFFF3C0  }
0xe5: {  	_ =	swait.ge [sflag:s26], $0xC40  }
0xe6: {  	[sflag:s26] =	ssyncset.done $0x0  }
0xe7: {  	s4 =	simm.s32 $0x0;
	[sflag:s26] =	ssyncadd.s32 $0xFFFFF3C0  }
0xe8: {  	s31 =	simm.s32 $0x40;
	v0 =	vld [tilespmem:s4+$0x24C0]  }
.LBB2_17:
0xe9: {  	p0 =	sne.s32 s31, $0x30C0;
	v1 =	vld [tilespmem:s4+$0x3100];
	_ =	sdelay $0x1  }
0xea: {  	v2 =	vld [tilespmem:s4+$0x3D40];
	_ =	sdelay $0x2  }
.Ltmp7:
0xeb: {  	(pc) =	sbr.rel @p0 .LBB2_17-.Ltmp7, $4  }
0xec: {  	_ = 	snop  }
0xed: {  	[tilespmem:v0+s17+$0x0] =	vst.idx.add.f32.msk $0xffff, v2  }
0xee: {  	s4 =	sshra.s32 s31, $0x2;
	[tilespmem:v1+s19+$0x0] =	vst.idx.add.f32.msk $0xffff, v2  }
0xef: {  	s31 =	sadd.s32 $0x40, s31;
	v0 =	vld [tilespmem:s4+$0x24C0]  }
0xf0: {  	_ = 	snop  }
0xf1: {  	v1 =	vld [tilespmem:s4+$0x3100];
	_ =	sdelay $0x1  }
0xf2: {  	v2 =	vld [tilespmem:s4+$0x3D40];
	s30 =	sadd.s32 $0x1, s30  }
0xf3: {  	p0 =	sne.s32 s30, $0x8  }
.Ltmp8:
0xf4: {  	_ = 	snop;
	(pc) =	sbr.rel @p0 .LBB2_14-.Ltmp8, $3  }
0xf5: {  	_ =	sdelay $0x1  }
0xf6: {  	[tilespmem:v0+s17+$0x0] =	vst.idx.add.f32.msk $0xffff, v2  }
0xf7: {  	[tilespmem:v1+s19+$0x0] =	vst.idx.add.f32.msk $0xffff, v2  }
0xf8: {  	s29 =	simm.s32 $0x0  }
0xf9: {  	[hbm4b:s12+s29] =	stream.linear.scatter [tilespmem:s17], [sflag:$0x3], $0xC380, $0x38;
	[tilespmem:$0x1D080] =	vst v63  }
0xfa: {  	_ =	swait.ge [sflag:s18], $0xC380  }
0xfb: {  	[sflag:s18] =	ssyncset.done $0x0  }
0xfc: {  	[sflag:s18] =	ssyncadd.s32 $0xFFFF3C80  }
0xfd: {  	[hbm4b:s13+s29] =	stream.linear.scatter [tilespmem:s19], [sflag:$0x3], $0xC380, $0x38;
	[tilespmem:$0x1D080] =	vst v63  }
0xfe: {  	_ =	swait.ge [sflag:s18], $0xC380  }
0xff: {  	[sflag:s18] =	ssyncset.done $0x0  }
0x100: {  	[sflag:s18] =	ssyncadd.s32 $0xFFFF3C80  }
0x101: {  	[tilespmem:s17], [sflag:$0x3] =	stream.linear.gather [hbm4b:s5+s29], $0xC380, $0x38;
	[tilespmem:$0x1D080] =	vst v63  }
0x102: {  	_ =	swait.ge [sflag:s18], $0xC380  }
0x103: {  	[sflag:s18] =	ssyncset.done $0x0  }
0x104: {  	[sflag:s18] =	ssyncadd.s32 $0xFFFF3C80  }
0x105: {  	[tilespmem:s19], [sflag:$0x3] =	stream.linear.gather [hbm4b:s5+s29], $0xC380, $0x38;
	[tilespmem:$0x1D080] =	vst v63  }
0x106: {  	_ =	swait.ge [sflag:s18], $0xC380  }
0x107: {  	[sflag:s18] =	ssyncset.done $0x0  }
0x108: {  	s30 =	simm.s32 $0x0;
	[sflag:s18] =	ssyncadd.s32 $0xFFFF3C80  }
.LBB2_20:
0x109: {  	s0 =	smul.u32 $0x1880, s30;
	_ =	sdelay $0x1  }
0x10a: {  	s0 =	sadd.s32 s7, s0  }
0x10b: {  	s0 =	sshrl.u32 s0, $0x3  }
0x10c: {  	s4 =	sadd.s32 s1, s0  }
0x10d: {  	[tilespmem:s29], [sflag:$0x1] =	stream.linear.gather [hbm4b:s4+s29], $0xC40, $0x38;
	[tilespmem:$0x1D080] =	vst v63  }
0x10e: {  	s4 =	sadd.s32 s2, s0  }
0x10f: {  	[tilespmem:s20], [sflag:$0x1] =	stream.linear.gather [hbm4b:s4+s29], $0xC40, $0x38;
	[tilespmem:$0x1D080] =	vst v63  }
0x110: {  	s4 =	sadd.s32 s3, s0  }
0x111: {  	s0 =	sadd.s32 $0x188, s0;
	s31 =	sadd.s32 $0x93000, s4  }
0x112: {  	[tilespmem:s21], [sflag:$0x1] =	stream.linear.gather [hbm4b:s31+s29], $0xC40, $0x38;
	[tilespmem:$0x1D080] =	vst v63  }
0x113: {  	s31 =	sadd.s32 s1, s0  }
0x114: {  	[tilespmem:s22], [sflag:$0x2] =	stream.linear.gather [hbm4b:s31+s29], $0xC40, $0x38;
	[tilespmem:$0x1D080] =	vst v63  }
0x115: {  	s0 =	sadd.s32 s2, s0  }
0x116: {  	[tilespmem:s23], [sflag:$0x2] =	stream.linear.gather [hbm4b:s0+s29], $0xC40, $0x38;
	[tilespmem:$0x1D080] =	vst v63  }
0x117: {  	s4 =	sadd.s32 $0x93188, s4  }
0x118: {  	[tilespmem:s24], [sflag:$0x2] =	stream.linear.gather [hbm4b:s4+s29], $0xC40, $0x38;
	[tilespmem:$0x1D080] =	vst v63  }
0x119: {  	_ =	swait.ge [sflag:s25], $0xC40  }
0x11a: {  	[sflag:s25] =	ssyncset.done $0x0  }
0x11b: {  	[sflag:s25] =	ssyncadd.s32 $0xFFFFF3C0  }
0x11c: {  	_ =	swait.ge [sflag:s25], $0xC40  }
0x11d: {  	[sflag:s25] =	ssyncset.done $0x0  }
0x11e: {  	[sflag:s25] =	ssyncadd.s32 $0xFFFFF3C0  }
0x11f: {  	_ =	swait.ge [sflag:s25], $0xC40  }
0x120: {  	[sflag:s25] =	ssyncset.done $0x0  }
0x121: {  	s4 =	simm.s32 $0x0;
	[sflag:s25] =	ssyncadd.s32 $0xFFFFF3C0  }
0x122: {  	s31 =	simm.s32 $0x40;
	v0 =	vld [tilespmem:s4+$0x0]  }
.LBB2_21:
0x123: {  	p0 =	sne.s32 s31, $0x30C0;
	v1 =	vld [tilespmem:s4+$0xC40];
	_ =	sdelay $0x1  }
0x124: {  	v2 =	vld [tilespmem:s4+$0x1880];
	_ =	sdelay $0x2  }
.Ltmp9:
0x125: {  	(pc) =	sbr.rel @p0 .LBB2_21-.Ltmp9, $4  }
0x126: {  	_ = 	snop  }
0x127: {  	[tilespmem:v0+s17+$0x0] =	vst.idx.add.f32.msk $0xffff, v2  }
0x128: {  	s4 =	sshra.s32 s31, $0x2;
	[tilespmem:v1+s19+$0x0] =	vst.idx.add.f32.msk $0xffff, v2  }
0x129: {  	s31 =	sadd.s32 $0x40, s31;
	v0 =	vld [tilespmem:s4+$0x0]  }
0x12a: {  	_ = 	snop  }
0x12b: {  	v1 =	vld [tilespmem:s4+$0xC40];
	_ =	sdelay $0x1  }
0x12c: {  	v2 =	vld [tilespmem:s4+$0x1880];
	_ =	sdelay $0x4  }
0x12d: {  	[tilespmem:v0+s17+$0x0] =	vst.idx.add.f32.msk $0xffff, v2  }
0x12e: {  	[tilespmem:v1+s19+$0x0] =	vst.idx.add.f32.msk $0xffff, v2  }
0x12f: {  	_ =	swait.ge [sflag:s26], $0xC40  }
0x130: {  	[sflag:s26] =	ssyncset.done $0x0  }
0x131: {  	[sflag:s26] =	ssyncadd.s32 $0xFFFFF3C0  }
0x132: {  	_ =	swait.ge [sflag:s26], $0xC40  }
0x133: {  	[sflag:s26] =	ssyncset.done $0x0  }
0x134: {  	[sflag:s26] =	ssyncadd.s32 $0xFFFFF3C0  }
0x135: {  	_ =	swait.ge [sflag:s26], $0xC40  }
0x136: {  	[sflag:s26] =	ssyncset.done $0x0  }
0x137: {  	s4 =	simm.s32 $0x0;
	[sflag:s26] =	ssyncadd.s32 $0xFFFFF3C0  }
0x138: {  	s31 =	simm.s32 $0x40;
	v0 =	vld [tilespmem:s4+$0x24C0]  }
.LBB2_23:
0x139: {  	p0 =	sne.s32 s31, $0x30C0;
	v1 =	vld [tilespmem:s4+$0x3100];
	_ =	sdelay $0x1  }
0x13a: {  	v2 =	vld [tilespmem:s4+$0x3D40];
	_ =	sdelay $0x2  }
.Ltmp10:
0x13b: {  	(pc) =	sbr.rel @p0 .LBB2_23-.Ltmp10, $4  }
0x13c: {  	_ = 	snop  }
0x13d: {  	[tilespmem:v0+s17+$0x0] =	vst.idx.add.f32.msk $0xffff, v2  }
0x13e: {  	s4 =	sshra.s32 s31, $0x2;
	[tilespmem:v1+s19+$0x0] =	vst.idx.add.f32.msk $0xffff, v2  }
0x13f: {  	s31 =	sadd.s32 $0x40, s31;
	v0 =	vld [tilespmem:s4+$0x24C0]  }
0x140: {  	_ = 	snop  }
0x141: {  	v1 =	vld [tilespmem:s4+$0x3100];
	_ =	sdelay $0x1  }
0x142: {  	v2 =	vld [tilespmem:s4+$0x3D40];
	s30 =	sadd.s32 $0x1, s30  }
0x143: {  	p0 =	sne.s32 s30, $0x8  }
.Ltmp11:
0x144: {  	_ = 	snop;
	(pc) =	sbr.rel @p0 .LBB2_20-.Ltmp11, $3  }
0x145: {  	_ =	sdelay $0x1  }
0x146: {  	[tilespmem:v0+s17+$0x0] =	vst.idx.add.f32.msk $0xffff, v2  }
0x147: {  	[tilespmem:v1+s19+$0x0] =	vst.idx.add.f32.msk $0xffff, v2  }
0x148: {  	[hbm4b:s14+s6] =	stream.linear.scatter [tilespmem:s17], [sflag:$0x3], $0xC380, $0x38;
	[tilespmem:$0x1D080] =	vst v63  }
0x149: {  	s28 =	sadd.s32 $0x1, s28;
	_ =	swait.ge [sflag:s18], $0xC380  }
0x14a: {  	p0 =	sne.s32 s28, s16;
	[sflag:s18] =	ssyncset.done $0x0  }
.Ltmp12:
0x14b: {  	[sflag:s18] =	ssyncadd.s32 $0xFFFF3C80;
	(pc) =	sbr.rel @p0 .LBB2_1-.Ltmp12, $4  }
0x14c: {  	[hbm4b:s15+s6] =	stream.linear.scatter [tilespmem:s19], [sflag:$0x3], $0xC380, $0x38;
	[tilespmem:$0x1D080] =	vst v63  }
0x14d: {  	_ =	swait.ge [sflag:s18], $0xC380  }
0x14e: {  	[sflag:s18] =	ssyncset.done $0x0  }
0x14f: {  	[sflag:s18] =	ssyncadd.s32 $0xFFFF3C80  }
0x150: {  	_ =	sfence.sel $0x180000  }
0x151: {  	[bflag:$0x0] =	sbarrier.arrive $0xFFFF  }
0x152: {  	_ =	strace $0x90000047  }
0x153: {  	s0 =	stileid.u32;
	[bflag:$0x2] =	sbarrier.arrive $0xFFFF  }
0x154: {  	p0 =	sne.s32 s0, $0x0;
	s0 =	rddreg [dreg:$0x5]  }
0x155: {  	s0 =	sadd.s32 @!p0 $0x100000, s0  }
0x156: {  	[sflag:s0] =	ssyncadd.tile.s32 @!p0 $0x1;
	_ =	shalt  }
.Lfunc_end2:
_tile_overlayer_lowered:
.L_overlay_start_2:
0x157: {  	(tag) =	ssettag $0x2  }
0x158: {  	s0 =	rddreg [dreg:$0x0];
	s2 =	stileid.u32  }
0x159: {  	s1 =	rddreg [dreg:$0x1];
	p0 =	sne.s32 s2, $0x0  }
0x15a: {  	s3 =	rddreg [dreg:$0x2];
	[bflag:$0x3] =	sbarrier.arrive $0xFFFF;
	s2 =	simm.s32 @!p0 $0x1C03  }
0x15b: {  	[timem:s3], [sflag:s2] =	dma.local @!p0 [hbm:s0], s1  }
0x15c: {  	s0 =	simm.s32 @!p0 $0x3  }
0x15d: {  	_ =	swait.ge @!p0 [sflag:s0], s1  }
0x15e: {  	s1 =	ssub.s32 @!p0 $0x0, s1;
	[sflag:s0] =	ssyncset.done @!p0 $0x0  }
0x15f: {  	[sflag:s0] =	ssyncadd.s32 @!p0 s1  }
0x160: {  	[bflag:$0x3] =	sbarrier.arrive $0xFFFF  }
0x161: {  	_ =	shalt  }

</sc_bundles>
